<compile_context>
chip_gen: v7x
topology: tpu7x:2x2x1
jax: 0.10.2.dev20260603
libtpu: 0.0.44.dev20260713+nightly
codegen_flags: <defaults>
</compile_context>

<pallas_src>
import functools

import jax
import jax.numpy as jnp
from jax import lax
from jax.experimental import pallas as pl
from jax.experimental.pallas import tpu as pltpu
from jax.experimental.pallas import tpu_sc as plsc

L = 16


def kernel(nodes, neighbors, num_sample, features):
    B, S = neighbors.shape
    N, D = features.shape
    KH = D // L

    info = plsc.get_sparse_core_info()
    NC, NS = info.num_cores, info.num_subcores
    NW = NC * NS

    G = 128 // S
    CH = G * S

    rows_per_w = -(-B // NW)
    rows_per_w = -(-rows_per_w // (4 * G)) * (4 * G)
    nchunk = rows_per_w // G
    nidx = rows_per_w * S

    nb = neighbors.astype(jnp.int32).reshape(B * S)

    feat = features
    n_rows = N
    if n_rows % 8 != 0:
        pad = 8 - n_rows % 8
        feat = jnp.concatenate(
            [feat, jnp.zeros((pad, D), jnp.float32)], axis=0)
        n_rows += pad
    n_stage = -(-(-(-n_rows // NS)) // 8) * 8

    mesh = plsc.VectorSubcoreMesh(core_axis_name="c", subcore_axis_name="s")

    @functools.partial(
        pl.kernel,
        mesh=mesh,
        out_type=jax.ShapeDtypeStruct((B, D), jnp.float32),
        scratch_types=[
            pltpu.VMEM_SHARED((n_rows, D), jnp.float32),
            pltpu.VMEM((nidx,), jnp.int32),
            pltpu.VMEM((CH, D), jnp.float32),
            pltpu.VMEM((CH, D), jnp.float32),
            pltpu.VMEM((2 * G, D), jnp.float32),
            pltpu.VMEM((2 * G, D), jnp.float32),
            pltpu.SemaphoreType.DMA,
            pltpu.SemaphoreType.DMA,
            pltpu.SemaphoreType.DMA,
            pltpu.SemaphoreType.DMA,
        ],
    )
    def sc_kernel(nb_hbm, feat_hbm, out_hbm, tab_sh, idx_v, rows0, rows1,
                  obuf0, obuf1, sem0, sem1, wsem0, wsem1):
        sid = lax.axis_index("s")
        wid = sid * NC + lax.axis_index("c")
        soff = jnp.minimum(sid * n_stage, n_rows - n_stage)
        pltpu.sync_copy(feat_hbm.at[pl.ds(soff, n_stage)],
                        tab_sh.at[pl.ds(soff, n_stage)])
        base = jnp.minimum(wid * rows_per_w, B - rows_per_w)
        pltpu.sync_copy(nb_hbm.at[pl.ds(base * S, nidx)], idx_v)
        plsc.subcore_barrier()

        def start(g, rows, sem):
            pltpu.async_copy(
                tab_sh.at[idx_v.at[pl.ds(g * CH, CH)]], rows, sem)

        def wait_g(rows, sem):
            pltpu.make_async_copy(
                tab_sh.at[idx_v.at[pl.ds(0, CH)]], rows, sem).wait()

        def wait_w(obuf, wsem):
            pltpu.make_async_copy(
                obuf, out_hbm.at[pl.ds(base, 2 * G)], wsem).wait()

        def compute(rows_ref, obuf, half):
            def do_row(r, carry):
                b0 = r * S
                accs = tuple(
                    rows_ref[b0, pl.ds(k * L, L)] for k in range(KH))

                def s_body(s, accs):
                    return tuple(
                        jnp.maximum(a, rows_ref[b0 + s, pl.ds(k * L, L)])
                        for k, a in enumerate(accs))

                accs = lax.fori_loop(1, S, s_body, accs)
                for k, a in enumerate(accs):
                    obuf[half * G + r, pl.ds(k * L, L)] = a
                return carry

            lax.fori_loop(0, G, do_row, 0)

        start(0, rows0, sem0)
        start(1, rows1, sem1)

        def body(i, carry):
            g = 4 * i
            wait_g(rows0, sem0)

            @pl.when(i > 0)
            def _():
                wait_w(obuf0, wsem0)

            compute(rows0, obuf0, 0)
            start(g + 2, rows0, sem0)

            wait_g(rows1, sem1)
            compute(rows1, obuf0, 1)
            pltpu.async_copy(
                obuf0, out_hbm.at[pl.ds(base + g * G, 2 * G)], wsem0)
            start(g + 3, rows1, sem1)

            wait_g(rows0, sem0)

            @pl.when(i > 0)
            def _():
                wait_w(obuf1, wsem1)

            compute(rows0, obuf1, 0)

            @pl.when(g + 4 < nchunk)
            def _():
                start(g + 4, rows0, sem0)

            wait_g(rows1, sem1)
            compute(rows1, obuf1, 1)
            pltpu.async_copy(
                obuf1, out_hbm.at[pl.ds(base + (g + 2) * G, 2 * G)], wsem1)

            @pl.when(g + 5 < nchunk)
            def _():
                start(g + 5, rows1, sem1)

            return carry

        lax.fori_loop(0, nchunk // 4, body, 0)
        wait_w(obuf0, wsem0)
        wait_w(obuf1, wsem1)

    return sc_kernel(nb, feat)

# --- scband reference (transcript-rebuilt; emitter-appended) ---
"""Pipeline reference for scband-mean-aggregator-88742614270077 (READ-ONLY COPY).

The authoritative reference and input builder live on the scoring server;
editing this copy changes nothing except your own understanding.
"""

import jax, jax.numpy as jnp
import numpy as np

N_NODES = 10000
B = 10000
S = 32
D = 128


def setup_inputs(seed: int = 0) -> dict:
    key = jax.random.key(seed)
    k1, k2, k3 = jax.random.split(key, 3)
    nodes = jax.random.randint(k1, (B,), 0, N_NODES)
    neighbors = jax.random.randint(k2, (B, S), 0, N_NODES)
    # learned/stored feature table backing features_fn (embedding lookup)
    features = jax.random.normal(k3, (N_NODES, D), dtype=jnp.float32)
    return {"nodes": nodes, "neighbors": neighbors, "num_sample": S, "features": features}


def reference(nodes, neighbors, num_sample, features):
    # MeanAggregator.forward with mode='GCN', gcn_style=False, agg_type='max' (default).
    # Each node has exactly num_sample sampled neighbors (fixed-width tensorization of
    # the original list-of-sets). Duplicate neighbor indices do not change a max
    # reduction, so max over the S sampled neighbors is exactly equivalent to max over
    # the deduplicated neighbor set.
    node_feats = jnp.take(features, nodes, axis=0)  # features_fn(nodes); computed (unused in GCN-max path, as in original)
    neighbor_feats = jnp.take(features, neighbors, axis=0)  # [B, S, D] gather
    output = jnp.max(neighbor_feats, axis=1)  # per-node max pooling over neighbors
    return output

if __name__ == "__main__":
    import jax
    _d = setup_inputs()
    print(jax.jit(kernel)(*tuple(_d.values())))

</pallas_src>

<mosaic_0001>
#map = affine_map<(d0, d1) -> (0)>
#map1 = affine_map<(d0, d1) -> (0, 0)>
module attributes {stable_mosaic.version = 14 : i64} {
  func.func @sc_kernel(%arg0: i32, %arg1: i32, %arg2: memref<320000xi32, #tpu.memory_space<hbm>>, %arg3: memref<10000x128xf32, #tpu.memory_space<hbm>>, %arg4: memref<10000x128xf32, #tpu.memory_space<hbm>>, %arg5: memref<10000x128xf32, #tpu.memory_space<vmem_shared>>, %arg6: memref<10240xi32, #tpu.memory_space<vmem>>, %arg7: memref<128x128xf32, #tpu.memory_space<vmem>>, %arg8: memref<128x128xf32, #tpu.memory_space<vmem>>, %arg9: memref<8x128xf32, #tpu.memory_space<vmem>>, %arg10: memref<8x128xf32, #tpu.memory_space<vmem>>, %arg11: memref<!tpu.dma_semaphore, #tpu.memory_space<semaphore_mem>>, %arg12: memref<!tpu.dma_semaphore, #tpu.memory_space<semaphore_mem>>, %arg13: memref<!tpu.dma_semaphore, #tpu.memory_space<semaphore_mem>>, %arg14: memref<!tpu.dma_semaphore, #tpu.memory_space<semaphore_mem>>) attributes {dimension_semantics = [#tpu.dimension_semantics<core_parallel>, #tpu.dimension_semantics<subcore_parallel>], iteration_bounds = array<i64: 2, 16>, scalar_prefetch = 0 : i64, scratch_operands = 10 : i64, tpu.core_type = #tpu.core_type<sc_vector_subcore>, window_params = [{transform_indices = #map}, {transform_indices = #map1}, {transform_indices = #map1}]} {
    %mul3A = arith.constant 2 : i32
    %mul3A_0 = arith.muli %arg1, %mul3A : i32
    %add3A = arith.addi %mul3A_0, %arg0 : i32
    %mul3A_1 = arith.constant 632 : i32
    %mul3A_2 = arith.muli %arg1, %mul3A_1 : i32
    %min3A = arith.constant 9368 : i32
    %min3A_3 = arith.minsi %mul3A_2, %min3A : i32
    "tpu.region"() ({
      %run_scoped3A = tpu.sem_alloc : memref<!tpu.dma_semaphore, #tpu.memory_space<semaphore_mem>>
      %dma_start3A_31 = arith.constant 0 : i32
      %dma_start3A_32 = tpu.memref_slice %arg5[%min3A_3, %dma_start3A_31] : memref<10000x128xf32, #tpu.memory_space<vmem_shared>> -> memref<632x128xf32, #tpu.memory_space<vmem_shared>>
      %dma_start3A_33 = arith.constant 0 : i32
      %dma_start3A_34 = tpu.memref_slice %arg3[%min3A_3, %dma_start3A_33] : memref<10000x128xf32, #tpu.memory_space<hbm>> -> memref<632x128xf32, #tpu.memory_space<hbm>>
      tpu.enqueue_dma source(%dma_start3A_34 : memref<632x128xf32, #tpu.memory_space<hbm>>) target(%dma_start3A_32 : memref<632x128xf32, #tpu.memory_space<vmem_shared>>) target_semaphore(%run_scoped3A : memref<!tpu.dma_semaphore, #tpu.memory_space<semaphore_mem>>)
      %dma_wait3A_35 = arith.constant 0 : i32
      %dma_wait3A_36 = tpu.memref_slice %arg5[%min3A_3, %dma_wait3A_35] : memref<10000x128xf32, #tpu.memory_space<vmem_shared>> -> memref<632x128xf32, #tpu.memory_space<vmem_shared>>
      %dma_wait3A_37 = arith.constant 0 : i32
      %dma_wait3A_38 = tpu.memref_slice %arg3[%min3A_3, %dma_wait3A_37] : memref<10000x128xf32, #tpu.memory_space<hbm>> -> memref<632x128xf32, #tpu.memory_space<hbm>>
      tpu.wait_dma2 semaphore(%run_scoped3A : memref<!tpu.dma_semaphore, #tpu.memory_space<semaphore_mem>>) src(%dma_wait3A_38 : memref<632x128xf32, #tpu.memory_space<hbm>>) dst(%dma_wait3A_36 : memref<632x128xf32, #tpu.memory_space<vmem_shared>>)
      tpu.yield
    }) : () -> ()
    %mul3A_4 = arith.constant 320 : i32
    %mul3A_5 = arith.muli %add3A, %mul3A_4 : i32
    %min3A_6 = arith.constant 9680 : i32
    %min3A_7 = arith.minsi %mul3A_5, %min3A_6 : i32
    %mul3A_8 = arith.constant 32 : i32
    %mul3A_9 = arith.muli %min3A_7, %mul3A_8 : i32
    "tpu.region"() ({
      %run_scoped3A = tpu.sem_alloc : memref<!tpu.dma_semaphore, #tpu.memory_space<semaphore_mem>>
      %dma_start3A_31 = tpu.memref_slice %arg2[%mul3A_9] : memref<320000xi32, #tpu.memory_space<hbm>> -> memref<10240xi32, #tpu.memory_space<hbm>>
      %dma_start3A_32 = tpu.memref_slice %arg2[%mul3A_9] : memref<320000xi32, #tpu.memory_space<hbm>> -> memref<10240xi32, #tpu.memory_space<hbm>>
      tpu.enqueue_dma source(%dma_start3A_32 : memref<10240xi32, #tpu.memory_space<hbm>>) target(%arg6 : memref<10240xi32, #tpu.memory_space<vmem>>) target_semaphore(%run_scoped3A : memref<!tpu.dma_semaphore, #tpu.memory_space<semaphore_mem>>)
      %dma_wait3A_33 = tpu.memref_slice %arg2[%mul3A_9] : memref<320000xi32, #tpu.memory_space<hbm>> -> memref<10240xi32, #tpu.memory_space<hbm>>
      %dma_wait3A_34 = tpu.memref_slice %arg2[%mul3A_9] : memref<320000xi32, #tpu.memory_space<hbm>> -> memref<10240xi32, #tpu.memory_space<hbm>>
      tpu.wait_dma2 semaphore(%run_scoped3A : memref<!tpu.dma_semaphore, #tpu.memory_space<semaphore_mem>>) src(%dma_wait3A_34 : memref<10240xi32, #tpu.memory_space<hbm>>) dst(%arg6 : memref<10240xi32, #tpu.memory_space<vmem>>)
      tpu.yield
    }) : () -> ()
    %barrier3A = arith.constant 0 : index
    tpu.barrier barrier_id(%barrier3A)
    %dma_start3A = arith.constant 0 : i32
    %dma_start3A_10 = tpu.memref_slice %arg6[%dma_start3A] : memref<10240xi32, #tpu.memory_space<vmem>> -> memref<128xi32, #tpu.memory_space<vmem>>
    %dma_start3A_11 = arith.constant 0 : i32
    %dma_start3A_12 = arith.constant 0 : i32
    %dma_start3A_13 = tpu.memref_slice %arg5[%dma_start3A_11, %dma_start3A_12] : memref<10000x128xf32, #tpu.memory_space<vmem_shared>> -> memref<10000x128xf32, #tpu.memory_space<vmem_shared>>
    tpu.enqueue_indirect_dma source(%dma_start3A_13 : memref<10000x128xf32, #tpu.memory_space<vmem_shared>>) target(%arg7 : memref<128x128xf32, #tpu.memory_space<vmem>>) offsets(%dma_start3A_10 : memref<128xi32, #tpu.memory_space<vmem>>) semaphore(%arg11 : memref<!tpu.dma_semaphore, #tpu.memory_space<semaphore_mem>>)
    %dma_start3A_14 = arith.constant 128 : i32
    %dma_start3A_15 = tpu.memref_slice %arg6[%dma_start3A_14] : memref<10240xi32, #tpu.memory_space<vmem>> -> memref<128xi32, #tpu.memory_space<vmem>>
    %dma_start3A_16 = arith.constant 0 : i32
    %dma_start3A_17 = arith.constant 0 : i32
    %dma_start3A_18 = tpu.memref_slice %arg5[%dma_start3A_16, %dma_start3A_17] : memref<10000x128xf32, #tpu.memory_space<vmem_shared>> -> memref<10000x128xf32, #tpu.memory_space<vmem_shared>>
    tpu.enqueue_indirect_dma source(%dma_start3A_18 : memref<10000x128xf32, #tpu.memory_space<vmem_shared>>) target(%arg8 : memref<128x128xf32, #tpu.memory_space<vmem>>) offsets(%dma_start3A_15 : memref<128xi32, #tpu.memory_space<vmem>>) semaphore(%arg12 : memref<!tpu.dma_semaphore, #tpu.memory_space<semaphore_mem>>)
    %scan3A = arith.constant 0 : i32
    %scan3A_19 = arith.constant 0 : i32
    %scan3A_20 = arith.constant 20 : i32
    %scan3A_21 = arith.addi %scan3A_19, %scan3A_20 : i32
    %scan3A_22 = arith.constant 1 : i32
    scf.for %scan3A_31 = %scan3A_19 to %scan3A_21 step %scan3A_22  : i32 {
      %mul3A_32 = arith.constant 4 : i32
      %mul3A_33 = arith.muli %mul3A_32, %scan3A_31 : i32
      %dma_wait3A_34 = arith.constant 0 : i32
      %dma_wait3A_35 = tpu.memref_slice %arg6[%dma_wait3A_34] : memref<10240xi32, #tpu.memory_space<vmem>> -> memref<128xi32, #tpu.memory_space<vmem>>
      %dma_wait3A_36 = arith.constant 0 : i32
      %dma_wait3A_37 = arith.constant 0 : i32
      %dma_wait3A_38 = tpu.memref_slice %arg5[%dma_wait3A_36, %dma_wait3A_37] : memref<10000x128xf32, #tpu.memory_space<vmem_shared>> -> memref<10000x128xf32, #tpu.memory_space<vmem_shared>>
      tpu.wait_indirect_dma semaphore(%arg11 : memref<!tpu.dma_semaphore, #tpu.memory_space<semaphore_mem>>) src(%dma_wait3A_38 : memref<10000x128xf32, #tpu.memory_space<vmem_shared>>) dst(%arg7 : memref<128x128xf32, #tpu.memory_space<vmem>>)
      %gt3A = arith.constant 0 : i32
      %gt3A_39 = arith.cmpi sgt, %scan3A_31, %gt3A : i32
      %convert_element_type3A = arith.extui %gt3A_39 : i1 to i32
      %cond3A = arith.constant 0 : i32
      %cond3A_40 = arith.cmpi ne, %convert_element_type3A, %cond3A : i32
      scf.if %cond3A_40 {
        %dma_wait3A_130 = arith.constant 0 : i32
        %dma_wait3A_131 = tpu.memref_slice %arg4[%min3A_7, %dma_wait3A_130] : memref<10000x128xf32, #tpu.memory_space<hbm>> -> memref<8x128xf32, #tpu.memory_space<hbm>>
        %dma_wait3A_132 = arith.constant 0 : i32
        %dma_wait3A_133 = tpu.memref_slice %arg4[%min3A_7, %dma_wait3A_132] : memref<10000x128xf32, #tpu.memory_space<hbm>> -> memref<8x128xf32, #tpu.memory_space<hbm>>
        tpu.wait_dma2 semaphore(%arg13 : memref<!tpu.dma_semaphore, #tpu.memory_space<semaphore_mem>>) src(%arg9 : memref<8x128xf32, #tpu.memory_space<vmem>>) dst(%dma_wait3A_133 : memref<8x128xf32, #tpu.memory_space<hbm>>)
      } else {
      }
      %scan3A_41 = arith.constant 0 : i32
      %scan3A_42 = arith.constant 0 : i32
      %scan3A_43 = arith.constant 4 : i32
      %scan3A_44 = arith.addi %scan3A_42, %scan3A_43 : i32
      %scan3A_45 = arith.constant 1 : i32
      scf.for %scan3A_130 = %scan3A_42 to %scan3A_44 step %scan3A_45  : i32 {
        %mul3A_131 = arith.constant 32 : i32
        %mul3A_132 = arith.muli %scan3A_130, %mul3A_131 : i32
        %get3A = arith.index_cast %mul3A_132 : i32 to index
        %get3A_133 = arith.constant 0 : index
        %get3A_134 = tpu.vector_load %arg7[%get3A, %get3A_133] {strides = array<i32>} : memref<128x128xf32, #tpu.memory_space<vmem>>, vector<1x16xf32>,
        %get3A_135 = vector.shape_cast %get3A_134 : vector<1x16xf32> to vector<16xf32>
        %get3A_136 = arith.index_cast %mul3A_132 : i32 to index
        %get3A_137 = arith.constant 16 : index
        %get3A_138 = tpu.vector_load %arg7[%get3A_136, %get3A_137] {strides = array<i32>} : memref<128x128xf32, #tpu.memory_space<vmem>>, vector<1x16xf32>,
        %get3A_139 = vector.shape_cast %get3A_138 : vector<1x16xf32> to vector<16xf32>
        %get3A_140 = arith.index_cast %mul3A_132 : i32 to index
        %get3A_141 = arith.constant 32 : index
        %get3A_142 = tpu.vector_load %arg7[%get3A_140, %get3A_141] {strides = array<i32>} : memref<128x128xf32, #tpu.memory_space<vmem>>, vector<1x16xf32>,
        %get3A_143 = vector.shape_cast %get3A_142 : vector<1x16xf32> to vector<16xf32>
        %get3A_144 = arith.index_cast %mul3A_132 : i32 to index
        %get3A_145 = arith.constant 48 : index
        %get3A_146 = tpu.vector_load %arg7[%get3A_144, %get3A_145] {strides = array<i32>} : memref<128x128xf32, #tpu.memory_space<vmem>>, vector<1x16xf32>,
        %get3A_147 = vector.shape_cast %get3A_146 : vector<1x16xf32> to vector<16xf32>
        %get3A_148 = arith.index_cast %mul3A_132 : i32 to index
        %get3A_149 = arith.constant 64 : index
        %get3A_150 = tpu.vector_load %arg7[%get3A_148, %get3A_149] {strides = array<i32>} : memref<128x128xf32, #tpu.memory_space<vmem>>, vector<1x16xf32>,
        %get3A_151 = vector.shape_cast %get3A_150 : vector<1x16xf32> to vector<16xf32>
        %get3A_152 = arith.index_cast %mul3A_132 : i32 to index
        %get3A_153 = arith.constant 80 : index
        %get3A_154 = tpu.vector_load %arg7[%get3A_152, %get3A_153] {strides = array<i32>} : memref<128x128xf32, #tpu.memory_space<vmem>>, vector<1x16xf32>,
        %get3A_155 = vector.shape_cast %get3A_154 : vector<1x16xf32> to vector<16xf32>
        %get3A_156 = arith.index_cast %mul3A_132 : i32 to index
        %get3A_157 = arith.constant 96 : index
        %get3A_158 = tpu.vector_load %arg7[%get3A_156, %get3A_157] {strides = array<i32>} : memref<128x128xf32, #tpu.memory_space<vmem>>, vector<1x16xf32>,
        %get3A_159 = vector.shape_cast %get3A_158 : vector<1x16xf32> to vector<16xf32>
        %get3A_160 = arith.index_cast %mul3A_132 : i32 to index
        %get3A_161 = arith.constant 112 : index
        %get3A_162 = tpu.vector_load %arg7[%get3A_160, %get3A_161] {strides = array<i32>} : memref<128x128xf32, #tpu.memory_space<vmem>>, vector<1x16xf32>,
        %get3A_163 = vector.shape_cast %get3A_162 : vector<1x16xf32> to vector<16xf32>
        %scan3A_164 = arith.constant 1 : i32
        %scan3A_165 = arith.constant 31 : i32
        %scan3A_166 = arith.addi %scan3A_164, %scan3A_165 : i32
        %scan3A_167 = arith.constant 1 : i32
        %scan3A_168:8 = scf.for %scan3A_225 = %scan3A_164 to %scan3A_166 step %scan3A_167 iter_args(%scan3A_226 = %get3A_135, %scan3A_227 = %get3A_139, %scan3A_228 = %get3A_143, %scan3A_229 = %get3A_147, %scan3A_230 = %get3A_151, %scan3A_231 = %get3A_155, %scan3A_232 = %get3A_159, %scan3A_233 = %get3A_163) -> (vector<16xf32>, vector<16xf32>, vector<16xf32>, vector<16xf32>, vector<16xf32>, vector<16xf32>, vector<16xf32>, vector<16xf32>)  : i32 {
          %add3A_234 = arith.addi %mul3A_132, %scan3A_225 : i32
          %get3A_235 = arith.index_cast %add3A_234 : i32 to index
          %get3A_236 = arith.constant 0 : index
          %get3A_237 = tpu.vector_load %arg7[%get3A_235, %get3A_236] {strides = array<i32>} : memref<128x128xf32, #tpu.memory_space<vmem>>, vector<1x16xf32>,
          %get3A_238 = vector.shape_cast %get3A_237 : vector<1x16xf32> to vector<16xf32>
          %max3A = arith.maximumf %scan3A_226, %get3A_238 : vector<16xf32>
          %add3A_239 = arith.addi %mul3A_132, %scan3A_225 : i32
          %get3A_240 = arith.index_cast %add3A_239 : i32 to index
          %get3A_241 = arith.constant 16 : index
          %get3A_242 = tpu.vector_load %arg7[%get3A_240, %get3A_241] {strides = array<i32>} : memref<128x128xf32, #tpu.memory_space<vmem>>, vector<1x16xf32>,
          %get3A_243 = vector.shape_cast %get3A_242 : vector<1x16xf32> to vector<16xf32>
          %max3A_244 = arith.maximumf %scan3A_227, %get3A_243 : vector<16xf32>
          %add3A_245 = arith.addi %mul3A_132, %scan3A_225 : i32
          %get3A_246 = arith.index_cast %add3A_245 : i32 to index
          %get3A_247 = arith.constant 32 : index
          %get3A_248 = tpu.vector_load %arg7[%get3A_246, %get3A_247] {strides = array<i32>} : memref<128x128xf32, #tpu.memory_space<vmem>>, vector<1x16xf32>,
          %get3A_249 = vector.shape_cast %get3A_248 : vector<1x16xf32> to vector<16xf32>
          %max3A_250 = arith.maximumf %scan3A_228, %get3A_249 : vector<16xf32>
          %add3A_251 = arith.addi %mul3A_132, %scan3A_225 : i32
          %get3A_252 = arith.index_cast %add3A_251 : i32 to index
          %get3A_253 = arith.constant 48 : index
          %get3A_254 = tpu.vector_load %arg7[%get3A_252, %get3A_253] {strides = array<i32>} : memref<128x128xf32, #tpu.memory_space<vmem>>, vector<1x16xf32>,
          %get3A_255 = vector.shape_cast %get3A_254 : vector<1x16xf32> to vector<16xf32>
          %max3A_256 = arith.maximumf %scan3A_229, %get3A_255 : vector<16xf32>
          %add3A_257 = arith.addi %mul3A_132, %scan3A_225 : i32
          %get3A_258 = arith.index_cast %add3A_257 : i32 to index
          %get3A_259 = arith.constant 64 : index
          %get3A_260 = tpu.vector_load %arg7[%get3A_258, %get3A_259] {strides = array<i32>} : memref<128x128xf32, #tpu.memory_space<vmem>>, vector<1x16xf32>,
          %get3A_261 = vector.shape_cast %get3A_260 : vector<1x16xf32> to vector<16xf32>
          %max3A_262 = arith.maximumf %scan3A_230, %get3A_261 : vector<16xf32>
          %add3A_263 = arith.addi %mul3A_132, %scan3A_225 : i32
          %get3A_264 = arith.index_cast %add3A_263 : i32 to index
          %get3A_265 = arith.constant 80 : index
          %get3A_266 = tpu.vector_load %arg7[%get3A_264, %get3A_265] {strides = array<i32>} : memref<128x128xf32, #tpu.memory_space<vmem>>, vector<1x16xf32>,
          %get3A_267 = vector.shape_cast %get3A_266 : vector<1x16xf32> to vector<16xf32>
          %max3A_268 = arith.maximumf %scan3A_231, %get3A_267 : vector<16xf32>
          %add3A_269 = arith.addi %mul3A_132, %scan3A_225 : i32
          %get3A_270 = arith.index_cast %add3A_269 : i32 to index
          %get3A_271 = arith.constant 96 : index
          %get3A_272 = tpu.vector_load %arg7[%get3A_270, %get3A_271] {strides = array<i32>} : memref<128x128xf32, #tpu.memory_space<vmem>>, vector<1x16xf32>,
          %get3A_273 = vector.shape_cast %get3A_272 : vector<1x16xf32> to vector<16xf32>
          %max3A_274 = arith.maximumf %scan3A_232, %get3A_273 : vector<16xf32>
          %add3A_275 = arith.addi %mul3A_132, %scan3A_225 : i32
          %get3A_276 = arith.index_cast %add3A_275 : i32 to index
          %get3A_277 = arith.constant 112 : index
          %get3A_278 = tpu.vector_load %arg7[%get3A_276, %get3A_277] {strides = array<i32>} : memref<128x128xf32, #tpu.memory_space<vmem>>, vector<1x16xf32>,
          %get3A_279 = vector.shape_cast %get3A_278 : vector<1x16xf32> to vector<16xf32>
          %max3A_280 = arith.maximumf %scan3A_233, %get3A_279 : vector<16xf32>
          scf.yield %max3A, %max3A_244, %max3A_250, %max3A_256, %max3A_262, %max3A_268, %max3A_274, %max3A_280 : vector<16xf32>, vector<16xf32>, vector<16xf32>, vector<16xf32>, vector<16xf32>, vector<16xf32>, vector<16xf32>, vector<16xf32>
        }
        %scan3A_169 = arith.constant 31 : i32
        %add3A_170 = arith.constant 0 : i32
        %add3A_171 = arith.addi %add3A_170, %scan3A_130 : i32
        %swap3A = arith.index_cast %add3A_171 : i32 to index
        %swap3A_172 = arith.constant 0 : index
        %swap3A_173 = tpu.vector_load %arg9[%swap3A, %swap3A_172] {strides = array<i32>} : memref<8x128xf32, #tpu.memory_space<vmem>>, vector<1x16xf32>,
        %swap3A_174 = vector.shape_cast %swap3A_173 : vector<1x16xf32> to vector<16xf32>
        %swap3A_175 = vector.shape_cast %scan3A_168#0 : vector<16xf32> to vector<1x16xf32>
        tpu.vector_store %arg9[%swap3A, %swap3A_172], %swap3A_175 {strides = array<i32>} : memref<8x128xf32, #tpu.memory_space<vmem>>, vector<1x16xf32>,
        %add3A_176 = arith.constant 0 : i32
        %add3A_177 = arith.addi %add3A_176, %scan3A_130 : i32
        %swap3A_178 = arith.index_cast %add3A_177 : i32 to index
        %swap3A_179 = arith.constant 16 : index
        %swap3A_180 = tpu.vector_load %arg9[%swap3A_178, %swap3A_179] {strides = array<i32>} : memref<8x128xf32, #tpu.memory_space<vmem>>, vector<1x16xf32>,
        %swap3A_181 = vector.shape_cast %swap3A_180 : vector<1x16xf32> to vector<16xf32>
        %swap3A_182 = vector.shape_cast %scan3A_168#1 : vector<16xf32> to vector<1x16xf32>
        tpu.vector_store %arg9[%swap3A_178, %swap3A_179], %swap3A_182 {strides = array<i32>} : memref<8x128xf32, #tpu.memory_space<vmem>>, vector<1x16xf32>,
        %add3A_183 = arith.constant 0 : i32
        %add3A_184 = arith.addi %add3A_183, %scan3A_130 : i32
        %swap3A_185 = arith.index_cast %add3A_184 : i32 to index
        %swap3A_186 = arith.constant 32 : index
        %swap3A_187 = tpu.vector_load %arg9[%swap3A_185, %swap3A_186] {strides = array<i32>} : memref<8x128xf32, #tpu.memory_space<vmem>>, vector<1x16xf32>,
        %swap3A_188 = vector.shape_cast %swap3A_187 : vector<1x16xf32> to vector<16xf32>
        %swap3A_189 = vector.shape_cast %scan3A_168#2 : vector<16xf32> to vector<1x16xf32>
        tpu.vector_store %arg9[%swap3A_185, %swap3A_186], %swap3A_189 {strides = array<i32>} : memref<8x128xf32, #tpu.memory_space<vmem>>, vector<1x16xf32>,
        %add3A_190 = arith.constant 0 : i32
        %add3A_191 = arith.addi %add3A_190, %scan3A_130 : i32
        %swap3A_192 = arith.index_cast %add3A_191 : i32 to index
        %swap3A_193 = arith.constant 48 : index
        %swap3A_194 = tpu.vector_load %arg9[%swap3A_192, %swap3A_193] {strides = array<i32>} : memref<8x128xf32, #tpu.memory_space<vmem>>, vector<1x16xf32>,
        %swap3A_195 = vector.shape_cast %swap3A_194 : vector<1x16xf32> to vector<16xf32>
        %swap3A_196 = vector.shape_cast %scan3A_168#3 : vector<16xf32> to vector<1x16xf32>
        tpu.vector_store %arg9[%swap3A_192, %swap3A_193], %swap3A_196 {strides = array<i32>} : memref<8x128xf32, #tpu.memory_space<vmem>>, vector<1x16xf32>,
        %add3A_197 = arith.constant 0 : i32
        %add3A_198 = arith.addi %add3A_197, %scan3A_130 : i32
        %swap3A_199 = arith.index_cast %add3A_198 : i32 to index
        %swap3A_200 = arith.constant 64 : index
        %swap3A_201 = tpu.vector_load %arg9[%swap3A_199, %swap3A_200] {strides = array<i32>} : memref<8x128xf32, #tpu.memory_space<vmem>>, vector<1x16xf32>,
        %swap3A_202 = vector.shape_cast %swap3A_201 : vector<1x16xf32> to vector<16xf32>
        %swap3A_203 = vector.shape_cast %scan3A_168#4 : vector<16xf32> to vector<1x16xf32>
        tpu.vector_store %arg9[%swap3A_199, %swap3A_200], %swap3A_203 {strides = array<i32>} : memref<8x128xf32, #tpu.memory_space<vmem>>, vector<1x16xf32>,
        %add3A_204 = arith.constant 0 : i32
        %add3A_205 = arith.addi %add3A_204, %scan3A_130 : i32
        %swap3A_206 = arith.index_cast %add3A_205 : i32 to index
        %swap3A_207 = arith.constant 80 : index
        %swap3A_208 = tpu.vector_load %arg9[%swap3A_206, %swap3A_207] {strides = array<i32>} : memref<8x128xf32, #tpu.memory_space<vmem>>, vector<1x16xf32>,
        %swap3A_209 = vector.shape_cast %swap3A_208 : vector<1x16xf32> to vector<16xf32>
        %swap3A_210 = vector.shape_cast %scan3A_168#5 : vector<16xf32> to vector<1x16xf32>
        tpu.vector_store %arg9[%swap3A_206, %swap3A_207], %swap3A_210 {strides = array<i32>} : memref<8x128xf32, #tpu.memory_space<vmem>>, vector<1x16xf32>,
        %add3A_211 = arith.constant 0 : i32
        %add3A_212 = arith.addi %add3A_211, %scan3A_130 : i32
        %swap3A_213 = arith.index_cast %add3A_212 : i32 to index
        %swap3A_214 = arith.constant 96 : index
        %swap3A_215 = tpu.vector_load %arg9[%swap3A_213, %swap3A_214] {strides = array<i32>} : memref<8x128xf32, #tpu.memory_space<vmem>>, vector<1x16xf32>,
        %swap3A_216 = vector.shape_cast %swap3A_215 : vector<1x16xf32> to vector<16xf32>
        %swap3A_217 = vector.shape_cast %scan3A_168#6 : vector<16xf32> to vector<1x16xf32>
        tpu.vector_store %arg9[%swap3A_213, %swap3A_214], %swap3A_217 {strides = array<i32>} : memref<8x128xf32, #tpu.memory_space<vmem>>, vector<1x16xf32>,
        %add3A_218 = arith.constant 0 : i32
        %add3A_219 = arith.addi %add3A_218, %scan3A_130 : i32
        %swap3A_220 = arith.index_cast %add3A_219 : i32 to index
        %swap3A_221 = arith.constant 112 : index
        %swap3A_222 = tpu.vector_load %arg9[%swap3A_220, %swap3A_221] {strides = array<i32>} : memref<8x128xf32, #tpu.memory_space<vmem>>, vector<1x16xf32>,
        %swap3A_223 = vector.shape_cast %swap3A_222 : vector<1x16xf32> to vector<16xf32>
        %swap3A_224 = vector.shape_cast %scan3A_168#7 : vector<16xf32> to vector<1x16xf32>
        tpu.vector_store %arg9[%swap3A_220, %swap3A_221], %swap3A_224 {strides = array<i32>} : memref<8x128xf32, #tpu.memory_space<vmem>>, vector<1x16xf32>,
      }
      %scan3A_46 = arith.constant 4 : i32
      %add3A_47 = arith.constant 2 : i32
      %add3A_48 = arith.addi %mul3A_33, %add3A_47 : i32
      %mul3A_49 = arith.constant 128 : i32
      %mul3A_50 = arith.muli %add3A_48, %mul3A_49 : i32
      %dma_start3A_51 = tpu.memref_slice %arg6[%mul3A_50] : memref<10240xi32, #tpu.memory_space<vmem>> -> memref<128xi32, #tpu.memory_space<vmem>>
      %dma_start3A_52 = arith.constant 0 : i32
      %dma_start3A_53 = arith.constant 0 : i32
      %dma_start3A_54 = tpu.memref_slice %arg5[%dma_start3A_52, %dma_start3A_53] : memref<10000x128xf32, #tpu.memory_space<vmem_shared>> -> memref<10000x128xf32, #tpu.memory_space<vmem_shared>>
      tpu.enqueue_indirect_dma source(%dma_start3A_54 : memref<10000x128xf32, #tpu.memory_space<vmem_shared>>) target(%arg7 : memref<128x128xf32, #tpu.memory_space<vmem>>) offsets(%dma_start3A_51 : memref<128xi32, #tpu.memory_space<vmem>>) semaphore(%arg11 : memref<!tpu.dma_semaphore, #tpu.memory_space<semaphore_mem>>)
      %dma_wait3A_55 = arith.constant 0 : i32
      %dma_wait3A_56 = tpu.memref_slice %arg6[%dma_wait3A_55] : memref<10240xi32, #tpu.memory_space<vmem>> -> memref<128xi32, #tpu.memory_space<vmem>>
      %dma_wait3A_57 = arith.constant 0 : i32
      %dma_wait3A_58 = arith.constant 0 : i32
      %dma_wait3A_59 = tpu.memref_slice %arg5[%dma_wait3A_57, %dma_wait3A_58] : memref<10000x128xf32, #tpu.memory_space<vmem_shared>> -> memref<10000x128xf32, #tpu.memory_space<vmem_shared>>
      tpu.wait_indirect_dma semaphore(%arg12 : memref<!tpu.dma_semaphore, #tpu.memory_space<semaphore_mem>>) src(%dma_wait3A_59 : memref<10000x128xf32, #tpu.memory_space<vmem_shared>>) dst(%arg8 : memref<128x128xf32, #tpu.memory_space<vmem>>)
      %scan3A_60 = arith.constant 0 : i32
      %scan3A_61 = arith.constant 0 : i32
      %scan3A_62 = arith.constant 4 : i32
      %scan3A_63 = arith.addi %scan3A_61, %scan3A_62 : i32
      %scan3A_64 = arith.constant 1 : i32
      scf.for %scan3A_130 = %scan3A_61 to %scan3A_63 step %scan3A_64  : i32 {
        %mul3A_131 = arith.constant 32 : i32
        %mul3A_132 = arith.muli %scan3A_130, %mul3A_131 : i32
        %get3A = arith.index_cast %mul3A_132 : i32 to index
        %get3A_133 = arith.constant 0 : index
        %get3A_134 = tpu.vector_load %arg8[%get3A, %get3A_133] {strides = array<i32>} : memref<128x128xf32, #tpu.memory_space<vmem>>, vector<1x16xf32>,
        %get3A_135 = vector.shape_cast %get3A_134 : vector<1x16xf32> to vector<16xf32>
        %get3A_136 = arith.index_cast %mul3A_132 : i32 to index
        %get3A_137 = arith.constant 16 : index
        %get3A_138 = tpu.vector_load %arg8[%get3A_136, %get3A_137] {strides = array<i32>} : memref<128x128xf32, #tpu.memory_space<vmem>>, vector<1x16xf32>,
        %get3A_139 = vector.shape_cast %get3A_138 : vector<1x16xf32> to vector<16xf32>
        %get3A_140 = arith.index_cast %mul3A_132 : i32 to index
        %get3A_141 = arith.constant 32 : index
        %get3A_142 = tpu.vector_load %arg8[%get3A_140, %get3A_141] {strides = array<i32>} : memref<128x128xf32, #tpu.memory_space<vmem>>, vector<1x16xf32>,
        %get3A_143 = vector.shape_cast %get3A_142 : vector<1x16xf32> to vector<16xf32>
        %get3A_144 = arith.index_cast %mul3A_132 : i32 to index
        %get3A_145 = arith.constant 48 : index
        %get3A_146 = tpu.vector_load %arg8[%get3A_144, %get3A_145] {strides = array<i32>} : memref<128x128xf32, #tpu.memory_space<vmem>>, vector<1x16xf32>,
        %get3A_147 = vector.shape_cast %get3A_146 : vector<1x16xf32> to vector<16xf32>
        %get3A_148 = arith.index_cast %mul3A_132 : i32 to index
        %get3A_149 = arith.constant 64 : index
        %get3A_150 = tpu.vector_load %arg8[%get3A_148, %get3A_149] {strides = array<i32>} : memref<128x128xf32, #tpu.memory_space<vmem>>, vector<1x16xf32>,
        %get3A_151 = vector.shape_cast %get3A_150 : vector<1x16xf32> to vector<16xf32>
        %get3A_152 = arith.index_cast %mul3A_132 : i32 to index
        %get3A_153 = arith.constant 80 : index
        %get3A_154 = tpu.vector_load %arg8[%get3A_152, %get3A_153] {strides = array<i32>} : memref<128x128xf32, #tpu.memory_space<vmem>>, vector<1x16xf32>,
        %get3A_155 = vector.shape_cast %get3A_154 : vector<1x16xf32> to vector<16xf32>
        %get3A_156 = arith.index_cast %mul3A_132 : i32 to index
        %get3A_157 = arith.constant 96 : index
        %get3A_158 = tpu.vector_load %arg8[%get3A_156, %get3A_157] {strides = array<i32>} : memref<128x128xf32, #tpu.memory_space<vmem>>, vector<1x16xf32>,
        %get3A_159 = vector.shape_cast %get3A_158 : vector<1x16xf32> to vector<16xf32>
        %get3A_160 = arith.index_cast %mul3A_132 : i32 to index
        %get3A_161 = arith.constant 112 : index
        %get3A_162 = tpu.vector_load %arg8[%get3A_160, %get3A_161] {strides = array<i32>} : memref<128x128xf32, #tpu.memory_space<vmem>>, vector<1x16xf32>,
        %get3A_163 = vector.shape_cast %get3A_162 : vector<1x16xf32> to vector<16xf32>
        %scan3A_164 = arith.constant 1 : i32
        %scan3A_165 = arith.constant 31 : i32
        %scan3A_166 = arith.addi %scan3A_164, %scan3A_165 : i32
        %scan3A_167 = arith.constant 1 : i32
        %scan3A_168:8 = scf.for %scan3A_225 = %scan3A_164 to %scan3A_166 step %scan3A_167 iter_args(%scan3A_226 = %get3A_135, %scan3A_227 = %get3A_139, %scan3A_228 = %get3A_143, %scan3A_229 = %get3A_147, %scan3A_230 = %get3A_151, %scan3A_231 = %get3A_155, %scan3A_232 = %get3A_159, %scan3A_233 = %get3A_163) -> (vector<16xf32>, vector<16xf32>, vector<16xf32>, vector<16xf32>, vector<16xf32>, vector<16xf32>, vector<16xf32>, vector<16xf32>)  : i32 {
          %add3A_234 = arith.addi %mul3A_132, %scan3A_225 : i32
          %get3A_235 = arith.index_cast %add3A_234 : i32 to index
          %get3A_236 = arith.constant 0 : index
          %get3A_237 = tpu.vector_load %arg8[%get3A_235, %get3A_236] {strides = array<i32>} : memref<128x128xf32, #tpu.memory_space<vmem>>, vector<1x16xf32>,
          %get3A_238 = vector.shape_cast %get3A_237 : vector<1x16xf32> to vector<16xf32>
          %max3A = arith.maximumf %scan3A_226, %get3A_238 : vector<16xf32>
          %add3A_239 = arith.addi %mul3A_132, %scan3A_225 : i32
          %get3A_240 = arith.index_cast %add3A_239 : i32 to index
          %get3A_241 = arith.constant 16 : index
          %get3A_242 = tpu.vector_load %arg8[%get3A_240, %get3A_241] {strides = array<i32>} : memref<128x128xf32, #tpu.memory_space<vmem>>, vector<1x16xf32>,
          %get3A_243 = vector.shape_cast %get3A_242 : vector<1x16xf32> to vector<16xf32>
          %max3A_244 = arith.maximumf %scan3A_227, %get3A_243 : vector<16xf32>
          %add3A_245 = arith.addi %mul3A_132, %scan3A_225 : i32
          %get3A_246 = arith.index_cast %add3A_245 : i32 to index
          %get3A_247 = arith.constant 32 : index
          %get3A_248 = tpu.vector_load %arg8[%get3A_246, %get3A_247] {strides = array<i32>} : memref<128x128xf32, #tpu.memory_space<vmem>>, vector<1x16xf32>,
          %get3A_249 = vector.shape_cast %get3A_248 : vector<1x16xf32> to vector<16xf32>
          %max3A_250 = arith.maximumf %scan3A_228, %get3A_249 : vector<16xf32>
          %add3A_251 = arith.addi %mul3A_132, %scan3A_225 : i32
          %get3A_252 = arith.index_cast %add3A_251 : i32 to index
          %get3A_253 = arith.constant 48 : index
          %get3A_254 = tpu.vector_load %arg8[%get3A_252, %get3A_253] {strides = array<i32>} : memref<128x128xf32, #tpu.memory_space<vmem>>, vector<1x16xf32>,
          %get3A_255 = vector.shape_cast %get3A_254 : vector<1x16xf32> to vector<16xf32>
          %max3A_256 = arith.maximumf %scan3A_229, %get3A_255 : vector<16xf32>
          %add3A_257 = arith.addi %mul3A_132, %scan3A_225 : i32
          %get3A_258 = arith.index_cast %add3A_257 : i32 to index
          %get3A_259 = arith.constant 64 : index
          %get3A_260 = tpu.vector_load %arg8[%get3A_258, %get3A_259] {strides = array<i32>} : memref<128x128xf32, #tpu.memory_space<vmem>>, vector<1x16xf32>,
          %get3A_261 = vector.shape_cast %get3A_260 : vector<1x16xf32> to vector<16xf32>
          %max3A_262 = arith.maximumf %scan3A_230, %get3A_261 : vector<16xf32>
          %add3A_263 = arith.addi %mul3A_132, %scan3A_225 : i32
          %get3A_264 = arith.index_cast %add3A_263 : i32 to index
          %get3A_265 = arith.constant 80 : index
          %get3A_266 = tpu.vector_load %arg8[%get3A_264, %get3A_265] {strides = array<i32>} : memref<128x128xf32, #tpu.memory_space<vmem>>, vector<1x16xf32>,
          %get3A_267 = vector.shape_cast %get3A_266 : vector<1x16xf32> to vector<16xf32>
          %max3A_268 = arith.maximumf %scan3A_231, %get3A_267 : vector<16xf32>
          %add3A_269 = arith.addi %mul3A_132, %scan3A_225 : i32
          %get3A_270 = arith.index_cast %add3A_269 : i32 to index
          %get3A_271 = arith.constant 96 : index
          %get3A_272 = tpu.vector_load %arg8[%get3A_270, %get3A_271] {strides = array<i32>} : memref<128x128xf32, #tpu.memory_space<vmem>>, vector<1x16xf32>,
          %get3A_273 = vector.shape_cast %get3A_272 : vector<1x16xf32> to vector<16xf32>
          %max3A_274 = arith.maximumf %scan3A_232, %get3A_273 : vector<16xf32>
          %add3A_275 = arith.addi %mul3A_132, %scan3A_225 : i32
          %get3A_276 = arith.index_cast %add3A_275 : i32 to index
          %get3A_277 = arith.constant 112 : index
          %get3A_278 = tpu.vector_load %arg8[%get3A_276, %get3A_277] {strides = array<i32>} : memref<128x128xf32, #tpu.memory_space<vmem>>, vector<1x16xf32>,
          %get3A_279 = vector.shape_cast %get3A_278 : vector<1x16xf32> to vector<16xf32>
          %max3A_280 = arith.maximumf %scan3A_233, %get3A_279 : vector<16xf32>
          scf.yield %max3A, %max3A_244, %max3A_250, %max3A_256, %max3A_262, %max3A_268, %max3A_274, %max3A_280 : vector<16xf32>, vector<16xf32>, vector<16xf32>, vector<16xf32>, vector<16xf32>, vector<16xf32>, vector<16xf32>, vector<16xf32>
        }
        %scan3A_169 = arith.constant 31 : i32
        %add3A_170 = arith.constant 4 : i32
        %add3A_171 = arith.addi %add3A_170, %scan3A_130 : i32
        %swap3A = arith.index_cast %add3A_171 : i32 to index
        %swap3A_172 = arith.constant 0 : index
        %swap3A_173 = tpu.vector_load %arg9[%swap3A, %swap3A_172] {strides = array<i32>} : memref<8x128xf32, #tpu.memory_space<vmem>>, vector<1x16xf32>,
        %swap3A_174 = vector.shape_cast %swap3A_173 : vector<1x16xf32> to vector<16xf32>
        %swap3A_175 = vector.shape_cast %scan3A_168#0 : vector<16xf32> to vector<1x16xf32>
        tpu.vector_store %arg9[%swap3A, %swap3A_172], %swap3A_175 {strides = array<i32>} : memref<8x128xf32, #tpu.memory_space<vmem>>, vector<1x16xf32>,
        %add3A_176 = arith.constant 4 : i32
        %add3A_177 = arith.addi %add3A_176, %scan3A_130 : i32
        %swap3A_178 = arith.index_cast %add3A_177 : i32 to index
        %swap3A_179 = arith.constant 16 : index
        %swap3A_180 = tpu.vector_load %arg9[%swap3A_178, %swap3A_179] {strides = array<i32>} : memref<8x128xf32, #tpu.memory_space<vmem>>, vector<1x16xf32>,
        %swap3A_181 = vector.shape_cast %swap3A_180 : vector<1x16xf32> to vector<16xf32>
        %swap3A_182 = vector.shape_cast %scan3A_168#1 : vector<16xf32> to vector<1x16xf32>
        tpu.vector_store %arg9[%swap3A_178, %swap3A_179], %swap3A_182 {strides = array<i32>} : memref<8x128xf32, #tpu.memory_space<vmem>>, vector<1x16xf32>,
        %add3A_183 = arith.constant 4 : i32
        %add3A_184 = arith.addi %add3A_183, %scan3A_130 : i32
        %swap3A_185 = arith.index_cast %add3A_184 : i32 to index
        %swap3A_186 = arith.constant 32 : index
        %swap3A_187 = tpu.vector_load %arg9[%swap3A_185, %swap3A_186] {strides = array<i32>} : memref<8x128xf32, #tpu.memory_space<vmem>>, vector<1x16xf32>,
        %swap3A_188 = vector.shape_cast %swap3A_187 : vector<1x16xf32> to vector<16xf32>
        %swap3A_189 = vector.shape_cast %scan3A_168#2 : vector<16xf32> to vector<1x16xf32>
        tpu.vector_store %arg9[%swap3A_185, %swap3A_186], %swap3A_189 {strides = array<i32>} : memref<8x128xf32, #tpu.memory_space<vmem>>, vector<1x16xf32>,
        %add3A_190 = arith.constant 4 : i32
        %add3A_191 = arith.addi %add3A_190, %scan3A_130 : i32
        %swap3A_192 = arith.index_cast %add3A_191 : i32 to index
        %swap3A_193 = arith.constant 48 : index
        %swap3A_194 = tpu.vector_load %arg9[%swap3A_192, %swap3A_193] {strides = array<i32>} : memref<8x128xf32, #tpu.memory_space<vmem>>, vector<1x16xf32>,
        %swap3A_195 = vector.shape_cast %swap3A_194 : vector<1x16xf32> to vector<16xf32>
        %swap3A_196 = vector.shape_cast %scan3A_168#3 : vector<16xf32> to vector<1x16xf32>
        tpu.vector_store %arg9[%swap3A_192, %swap3A_193], %swap3A_196 {strides = array<i32>} : memref<8x128xf32, #tpu.memory_space<vmem>>, vector<1x16xf32>,
        %add3A_197 = arith.constant 4 : i32
        %add3A_198 = arith.addi %add3A_197, %scan3A_130 : i32
        %swap3A_199 = arith.index_cast %add3A_198 : i32 to index
        %swap3A_200 = arith.constant 64 : index
        %swap3A_201 = tpu.vector_load %arg9[%swap3A_199, %swap3A_200] {strides = array<i32>} : memref<8x128xf32, #tpu.memory_space<vmem>>, vector<1x16xf32>,
        %swap3A_202 = vector.shape_cast %swap3A_201 : vector<1x16xf32> to vector<16xf32>
        %swap3A_203 = vector.shape_cast %scan3A_168#4 : vector<16xf32> to vector<1x16xf32>
        tpu.vector_store %arg9[%swap3A_199, %swap3A_200], %swap3A_203 {strides = array<i32>} : memref<8x128xf32, #tpu.memory_space<vmem>>, vector<1x16xf32>,
        %add3A_204 = arith.constant 4 : i32
        %add3A_205 = arith.addi %add3A_204, %scan3A_130 : i32
        %swap3A_206 = arith.index_cast %add3A_205 : i32 to index
        %swap3A_207 = arith.constant 80 : index
        %swap3A_208 = tpu.vector_load %arg9[%swap3A_206, %swap3A_207] {strides = array<i32>} : memref<8x128xf32, #tpu.memory_space<vmem>>, vector<1x16xf32>,
        %swap3A_209 = vector.shape_cast %swap3A_208 : vector<1x16xf32> to vector<16xf32>
        %swap3A_210 = vector.shape_cast %scan3A_168#5 : vector<16xf32> to vector<1x16xf32>
        tpu.vector_store %arg9[%swap3A_206, %swap3A_207], %swap3A_210 {strides = array<i32>} : memref<8x128xf32, #tpu.memory_space<vmem>>, vector<1x16xf32>,
        %add3A_211 = arith.constant 4 : i32
        %add3A_212 = arith.addi %add3A_211, %scan3A_130 : i32
        %swap3A_213 = arith.index_cast %add3A_212 : i32 to index
        %swap3A_214 = arith.constant 96 : index
        %swap3A_215 = tpu.vector_load %arg9[%swap3A_213, %swap3A_214] {strides = array<i32>} : memref<8x128xf32, #tpu.memory_space<vmem>>, vector<1x16xf32>,
        %swap3A_216 = vector.shape_cast %swap3A_215 : vector<1x16xf32> to vector<16xf32>
        %swap3A_217 = vector.shape_cast %scan3A_168#6 : vector<16xf32> to vector<1x16xf32>
        tpu.vector_store %arg9[%swap3A_213, %swap3A_214], %swap3A_217 {strides = array<i32>} : memref<8x128xf32, #tpu.memory_space<vmem>>, vector<1x16xf32>,
        %add3A_218 = arith.constant 4 : i32
        %add3A_219 = arith.addi %add3A_218, %scan3A_130 : i32
        %swap3A_220 = arith.index_cast %add3A_219 : i32 to index
        %swap3A_221 = arith.constant 112 : index
        %swap3A_222 = tpu.vector_load %arg9[%swap3A_220, %swap3A_221] {strides = array<i32>} : memref<8x128xf32, #tpu.memory_space<vmem>>, vector<1x16xf32>,
        %swap3A_223 = vector.shape_cast %swap3A_222 : vector<1x16xf32> to vector<16xf32>
        %swap3A_224 = vector.shape_cast %scan3A_168#7 : vector<16xf32> to vector<1x16xf32>
        tpu.vector_store %arg9[%swap3A_220, %swap3A_221], %swap3A_224 {strides = array<i32>} : memref<8x128xf32, #tpu.memory_space<vmem>>, vector<1x16xf32>,
      }
      %scan3A_65 = arith.constant 4 : i32
      %mul3A_66 = arith.constant 4 : i32
      %mul3A_67 = arith.muli %mul3A_33, %mul3A_66 : i32
      %add3A_68 = arith.addi %min3A_7, %mul3A_67 : i32
      %dma_start3A_69 = arith.constant 0 : i32
      %dma_start3A_70 = tpu.memref_slice %arg4[%add3A_68, %dma_start3A_69] : memref<10000x128xf32, #tpu.memory_space<hbm>> -> memref<8x128xf32, #tpu.memory_space<hbm>>
      %dma_start3A_71 = arith.constant 0 : i32
      %dma_start3A_72 = tpu.memref_slice %arg4[%add3A_68, %dma_start3A_71] : memref<10000x128xf32, #tpu.memory_space<hbm>> -> memref<8x128xf32, #tpu.memory_space<hbm>>
      tpu.enqueue_dma source(%arg9 : memref<8x128xf32, #tpu.memory_space<vmem>>) target(%dma_start3A_72 : memref<8x128xf32, #tpu.memory_space<hbm>>) target_semaphore(%arg13 : memref<!tpu.dma_semaphore, #tpu.memory_space<semaphore_mem>>)
      %add3A_73 = arith.constant 3 : i32
      %add3A_74 = arith.addi %mul3A_33, %add3A_73 : i32
      %mul3A_75 = arith.constant 128 : i32
      %mul3A_76 = arith.muli %add3A_74, %mul3A_75 : i32
      %dma_start3A_77 = tpu.memref_slice %arg6[%mul3A_76] : memref<10240xi32, #tpu.memory_space<vmem>> -> memref<128xi32, #tpu.memory_space<vmem>>
      %dma_start3A_78 = arith.constant 0 : i32
      %dma_start3A_79 = arith.constant 0 : i32
      %dma_start3A_80 = tpu.memref_slice %arg5[%dma_start3A_78, %dma_start3A_79] : memref<10000x128xf32, #tpu.memory_space<vmem_shared>> -> memref<10000x128xf32, #tpu.memory_space<vmem_shared>>
      tpu.enqueue_indirect_dma source(%dma_start3A_80 : memref<10000x128xf32, #tpu.memory_space<vmem_shared>>) target(%arg8 : memref<128x128xf32, #tpu.memory_space<vmem>>) offsets(%dma_start3A_77 : memref<128xi32, #tpu.memory_space<vmem>>) semaphore(%arg12 : memref<!tpu.dma_semaphore, #tpu.memory_space<semaphore_mem>>)
      %dma_wait3A_81 = arith.constant 0 : i32
      %dma_wait3A_82 = tpu.memref_slice %arg6[%dma_wait3A_81] : memref<10240xi32, #tpu.memory_space<vmem>> -> memref<128xi32, #tpu.memory_space<vmem>>
      %dma_wait3A_83 = arith.constant 0 : i32
      %dma_wait3A_84 = arith.constant 0 : i32
      %dma_wait3A_85 = tpu.memref_slice %arg5[%dma_wait3A_83, %dma_wait3A_84] : memref<10000x128xf32, #tpu.memory_space<vmem_shared>> -> memref<10000x128xf32, #tpu.memory_space<vmem_shared>>
      tpu.wait_indirect_dma semaphore(%arg11 : memref<!tpu.dma_semaphore, #tpu.memory_space<semaphore_mem>>) src(%dma_wait3A_85 : memref<10000x128xf32, #tpu.memory_space<vmem_shared>>) dst(%arg7 : memref<128x128xf32, #tpu.memory_space<vmem>>)
      %gt3A_86 = arith.constant 0 : i32
      %gt3A_87 = arith.cmpi sgt, %scan3A_31, %gt3A_86 : i32
      %convert_element_type3A_88 = arith.extui %gt3A_87 : i1 to i32
      %cond3A_89 = arith.constant 0 : i32
      %cond3A_90 = arith.cmpi ne, %convert_element_type3A_88, %cond3A_89 : i32
      scf.if %cond3A_90 {
        %dma_wait3A_130 = arith.constant 0 : i32
        %dma_wait3A_131 = tpu.memref_slice %arg4[%min3A_7, %dma_wait3A_130] : memref<10000x128xf32, #tpu.memory_space<hbm>> -> memref<8x128xf32, #tpu.memory_space<hbm>>
        %dma_wait3A_132 = arith.constant 0 : i32
        %dma_wait3A_133 = tpu.memref_slice %arg4[%min3A_7, %dma_wait3A_132] : memref<10000x128xf32, #tpu.memory_space<hbm>> -> memref<8x128xf32, #tpu.memory_space<hbm>>
        tpu.wait_dma2 semaphore(%arg14 : memref<!tpu.dma_semaphore, #tpu.memory_space<semaphore_mem>>) src(%arg10 : memref<8x128xf32, #tpu.memory_space<vmem>>) dst(%dma_wait3A_133 : memref<8x128xf32, #tpu.memory_space<hbm>>)
      } else {
      }
      %scan3A_91 = arith.constant 0 : i32
      %scan3A_92 = arith.constant 0 : i32
      %scan3A_93 = arith.constant 4 : i32
      %scan3A_94 = arith.addi %scan3A_92, %scan3A_93 : i32
      %scan3A_95 = arith.constant 1 : i32
      scf.for %scan3A_130 = %scan3A_92 to %scan3A_94 step %scan3A_95  : i32 {
        %mul3A_131 = arith.constant 32 : i32
        %mul3A_132 = arith.muli %scan3A_130, %mul3A_131 : i32
        %get3A = arith.index_cast %mul3A_132 : i32 to index
        %get3A_133 = arith.constant 0 : index
        %get3A_134 = tpu.vector_load %arg7[%get3A, %get3A_133] {strides = array<i32>} : memref<128x128xf32, #tpu.memory_space<vmem>>, vector<1x16xf32>,
        %get3A_135 = vector.shape_cast %get3A_134 : vector<1x16xf32> to vector<16xf32>
        %get3A_136 = arith.index_cast %mul3A_132 : i32 to index
        %get3A_137 = arith.constant 16 : index
        %get3A_138 = tpu.vector_load %arg7[%get3A_136, %get3A_137] {strides = array<i32>} : memref<128x128xf32, #tpu.memory_space<vmem>>, vector<1x16xf32>,
        %get3A_139 = vector.shape_cast %get3A_138 : vector<1x16xf32> to vector<16xf32>
        %get3A_140 = arith.index_cast %mul3A_132 : i32 to index
        %get3A_141 = arith.constant 32 : index
        %get3A_142 = tpu.vector_load %arg7[%get3A_140, %get3A_141] {strides = array<i32>} : memref<128x128xf32, #tpu.memory_space<vmem>>, vector<1x16xf32>,
        %get3A_143 = vector.shape_cast %get3A_142 : vector<1x16xf32> to vector<16xf32>
        %get3A_144 = arith.index_cast %mul3A_132 : i32 to index
        %get3A_145 = arith.constant 48 : index
        %get3A_146 = tpu.vector_load %arg7[%get3A_144, %get3A_145] {strides = array<i32>} : memref<128x128xf32, #tpu.memory_space<vmem>>, vector<1x16xf32>,
        %get3A_147 = vector.shape_cast %get3A_146 : vector<1x16xf32> to vector<16xf32>
        %get3A_148 = arith.index_cast %mul3A_132 : i32 to index
        %get3A_149 = arith.constant 64 : index
        %get3A_150 = tpu.vector_load %arg7[%get3A_148, %get3A_149] {strides = array<i32>} : memref<128x128xf32, #tpu.memory_space<vmem>>, vector<1x16xf32>,
        %get3A_151 = vector.shape_cast %get3A_150 : vector<1x16xf32> to vector<16xf32>
        %get3A_152 = arith.index_cast %mul3A_132 : i32 to index
        %get3A_153 = arith.constant 80 : index
        %get3A_154 = tpu.vector_load %arg7[%get3A_152, %get3A_153] {strides = array<i32>} : memref<128x128xf32, #tpu.memory_space<vmem>>, vector<1x16xf32>,
        %get3A_155 = vector.shape_cast %get3A_154 : vector<1x16xf32> to vector<16xf32>
        %get3A_156 = arith.index_cast %mul3A_132 : i32 to index
        %get3A_157 = arith.constant 96 : index
        %get3A_158 = tpu.vector_load %arg7[%get3A_156, %get3A_157] {strides = array<i32>} : memref<128x128xf32, #tpu.memory_space<vmem>>, vector<1x16xf32>,
        %get3A_159 = vector.shape_cast %get3A_158 : vector<1x16xf32> to vector<16xf32>
        %get3A_160 = arith.index_cast %mul3A_132 : i32 to index
        %get3A_161 = arith.constant 112 : index
        %get3A_162 = tpu.vector_load %arg7[%get3A_160, %get3A_161] {strides = array<i32>} : memref<128x128xf32, #tpu.memory_space<vmem>>, vector<1x16xf32>,
        %get3A_163 = vector.shape_cast %get3A_162 : vector<1x16xf32> to vector<16xf32>
        %scan3A_164 = arith.constant 1 : i32
        %scan3A_165 = arith.constant 31 : i32
        %scan3A_166 = arith.addi %scan3A_164, %scan3A_165 : i32
        %scan3A_167 = arith.constant 1 : i32
        %scan3A_168:8 = scf.for %scan3A_225 = %scan3A_164 to %scan3A_166 step %scan3A_167 iter_args(%scan3A_226 = %get3A_135, %scan3A_227 = %get3A_139, %scan3A_228 = %get3A_143, %scan3A_229 = %get3A_147, %scan3A_230 = %get3A_151, %scan3A_231 = %get3A_155, %scan3A_232 = %get3A_159, %scan3A_233 = %get3A_163) -> (vector<16xf32>, vector<16xf32>, vector<16xf32>, vector<16xf32>, vector<16xf32>, vector<16xf32>, vector<16xf32>, vector<16xf32>)  : i32 {
          %add3A_234 = arith.addi %mul3A_132, %scan3A_225 : i32
          %get3A_235 = arith.index_cast %add3A_234 : i32 to index
          %get3A_236 = arith.constant 0 : index
          %get3A_237 = tpu.vector_load %arg7[%get3A_235, %get3A_236] {strides = array<i32>} : memref<128x128xf32, #tpu.memory_space<vmem>>, vector<1x16xf32>,
          %get3A_238 = vector.shape_cast %get3A_237 : vector<1x16xf32> to vector<16xf32>
          %max3A = arith.maximumf %scan3A_226, %get3A_238 : vector<16xf32>
          %add3A_239 = arith.addi %mul3A_132, %scan3A_225 : i32
          %get3A_240 = arith.index_cast %add3A_239 : i32 to index
          %get3A_241 = arith.constant 16 : index
          %get3A_242 = tpu.vector_load %arg7[%get3A_240, %get3A_241] {strides = array<i32>} : memref<128x128xf32, #tpu.memory_space<vmem>>, vector<1x16xf32>,
          %get3A_243 = vector.shape_cast %get3A_242 : vector<1x16xf32> to vector<16xf32>
          %max3A_244 = arith.maximumf %scan3A_227, %get3A_243 : vector<16xf32>
          %add3A_245 = arith.addi %mul3A_132, %scan3A_225 : i32
          %get3A_246 = arith.index_cast %add3A_245 : i32 to index
          %get3A_247 = arith.constant 32 : index
          %get3A_248 = tpu.vector_load %arg7[%get3A_246, %get3A_247] {strides = array<i32>} : memref<128x128xf32, #tpu.memory_space<vmem>>, vector<1x16xf32>,
          %get3A_249 = vector.shape_cast %get3A_248 : vector<1x16xf32> to vector<16xf32>
          %max3A_250 = arith.maximumf %scan3A_228, %get3A_249 : vector<16xf32>
          %add3A_251 = arith.addi %mul3A_132, %scan3A_225 : i32
          %get3A_252 = arith.index_cast %add3A_251 : i32 to index
          %get3A_253 = arith.constant 48 : index
          %get3A_254 = tpu.vector_load %arg7[%get3A_252, %get3A_253] {strides = array<i32>} : memref<128x128xf32, #tpu.memory_space<vmem>>, vector<1x16xf32>,
          %get3A_255 = vector.shape_cast %get3A_254 : vector<1x16xf32> to vector<16xf32>
          %max3A_256 = arith.maximumf %scan3A_229, %get3A_255 : vector<16xf32>
          %add3A_257 = arith.addi %mul3A_132, %scan3A_225 : i32
          %get3A_258 = arith.index_cast %add3A_257 : i32 to index
          %get3A_259 = arith.constant 64 : index
          %get3A_260 = tpu.vector_load %arg7[%get3A_258, %get3A_259] {strides = array<i32>} : memref<128x128xf32, #tpu.memory_space<vmem>>, vector<1x16xf32>,
          %get3A_261 = vector.shape_cast %get3A_260 : vector<1x16xf32> to vector<16xf32>
          %max3A_262 = arith.maximumf %scan3A_230, %get3A_261 : vector<16xf32>
          %add3A_263 = arith.addi %mul3A_132, %scan3A_225 : i32
          %get3A_264 = arith.index_cast %add3A_263 : i32 to index
          %get3A_265 = arith.constant 80 : index
          %get3A_266 = tpu.vector_load %arg7[%get3A_264, %get3A_265] {strides = array<i32>} : memref<128x128xf32, #tpu.memory_space<vmem>>, vector<1x16xf32>,
          %get3A_267 = vector.shape_cast %get3A_266 : vector<1x16xf32> to vector<16xf32>
          %max3A_268 = arith.maximumf %scan3A_231, %get3A_267 : vector<16xf32>
          %add3A_269 = arith.addi %mul3A_132, %scan3A_225 : i32
          %get3A_270 = arith.index_cast %add3A_269 : i32 to index
          %get3A_271 = arith.constant 96 : index
          %get3A_272 = tpu.vector_load %arg7[%get3A_270, %get3A_271] {strides = array<i32>} : memref<128x128xf32, #tpu.memory_space<vmem>>, vector<1x16xf32>,
          %get3A_273 = vector.shape_cast %get3A_272 : vector<1x16xf32> to vector<16xf32>
          %max3A_274 = arith.maximumf %scan3A_232, %get3A_273 : vector<16xf32>
          %add3A_275 = arith.addi %mul3A_132, %scan3A_225 : i32
          %get3A_276 = arith.index_cast %add3A_275 : i32 to index
          %get3A_277 = arith.constant 112 : index
          %get3A_278 = tpu.vector_load %arg7[%get3A_276, %get3A_277] {strides = array<i32>} : memref<128x128xf32, #tpu.memory_space<vmem>>, vector<1x16xf32>,
          %get3A_279 = vector.shape_cast %get3A_278 : vector<1x16xf32> to vector<16xf32>
          %max3A_280 = arith.maximumf %scan3A_233, %get3A_279 : vector<16xf32>
          scf.yield %max3A, %max3A_244, %max3A_250, %max3A_256, %max3A_262, %max3A_268, %max3A_274, %max3A_280 : vector<16xf32>, vector<16xf32>, vector<16xf32>, vector<16xf32>, vector<16xf32>, vector<16xf32>, vector<16xf32>, vector<16xf32>
        }
        %scan3A_169 = arith.constant 31 : i32
        %add3A_170 = arith.constant 0 : i32
        %add3A_171 = arith.addi %add3A_170, %scan3A_130 : i32
        %swap3A = arith.index_cast %add3A_171 : i32 to index
        %swap3A_172 = arith.constant 0 : index
        %swap3A_173 = tpu.vector_load %arg10[%swap3A, %swap3A_172] {strides = array<i32>} : memref<8x128xf32, #tpu.memory_space<vmem>>, vector<1x16xf32>,
        %swap3A_174 = vector.shape_cast %swap3A_173 : vector<1x16xf32> to vector<16xf32>
        %swap3A_175 = vector.shape_cast %scan3A_168#0 : vector<16xf32> to vector<1x16xf32>
        tpu.vector_store %arg10[%swap3A, %swap3A_172], %swap3A_175 {strides = array<i32>} : memref<8x128xf32, #tpu.memory_space<vmem>>, vector<1x16xf32>,
        %add3A_176 = arith.constant 0 : i32
        %add3A_177 = arith.addi %add3A_176, %scan3A_130 : i32
        %swap3A_178 = arith.index_cast %add3A_177 : i32 to index
        %swap3A_179 = arith.constant 16 : index
        %swap3A_180 = tpu.vector_load %arg10[%swap3A_178, %swap3A_179] {strides = array<i32>} : memref<8x128xf32, #tpu.memory_space<vmem>>, vector<1x16xf32>,
        %swap3A_181 = vector.shape_cast %swap3A_180 : vector<1x16xf32> to vector<16xf32>
        %swap3A_182 = vector.shape_cast %scan3A_168#1 : vector<16xf32> to vector<1x16xf32>
        tpu.vector_store %arg10[%swap3A_178, %swap3A_179], %swap3A_182 {strides = array<i32>} : memref<8x128xf32, #tpu.memory_space<vmem>>, vector<1x16xf32>,
        %add3A_183 = arith.constant 0 : i32
        %add3A_184 = arith.addi %add3A_183, %scan3A_130 : i32
        %swap3A_185 = arith.index_cast %add3A_184 : i32 to index
        %swap3A_186 = arith.constant 32 : index
        %swap3A_187 = tpu.vector_load %arg10[%swap3A_185, %swap3A_186] {strides = array<i32>} : memref<8x128xf32, #tpu.memory_space<vmem>>, vector<1x16xf32>,
        %swap3A_188 = vector.shape_cast %swap3A_187 : vector<1x16xf32> to vector<16xf32>
        %swap3A_189 = vector.shape_cast %scan3A_168#2 : vector<16xf32> to vector<1x16xf32>
        tpu.vector_store %arg10[%swap3A_185, %swap3A_186], %swap3A_189 {strides = array<i32>} : memref<8x128xf32, #tpu.memory_space<vmem>>, vector<1x16xf32>,
        %add3A_190 = arith.constant 0 : i32
        %add3A_191 = arith.addi %add3A_190, %scan3A_130 : i32
        %swap3A_192 = arith.index_cast %add3A_191 : i32 to index
        %swap3A_193 = arith.constant 48 : index
        %swap3A_194 = tpu.vector_load %arg10[%swap3A_192, %swap3A_193] {strides = array<i32>} : memref<8x128xf32, #tpu.memory_space<vmem>>, vector<1x16xf32>,
        %swap3A_195 = vector.shape_cast %swap3A_194 : vector<1x16xf32> to vector<16xf32>
        %swap3A_196 = vector.shape_cast %scan3A_168#3 : vector<16xf32> to vector<1x16xf32>
        tpu.vector_store %arg10[%swap3A_192, %swap3A_193], %swap3A_196 {strides = array<i32>} : memref<8x128xf32, #tpu.memory_space<vmem>>, vector<1x16xf32>,
        %add3A_197 = arith.constant 0 : i32
        %add3A_198 = arith.addi %add3A_197, %scan3A_130 : i32
        %swap3A_199 = arith.index_cast %add3A_198 : i32 to index
        %swap3A_200 = arith.constant 64 : index
        %swap3A_201 = tpu.vector_load %arg10[%swap3A_199, %swap3A_200] {strides = array<i32>} : memref<8x128xf32, #tpu.memory_space<vmem>>, vector<1x16xf32>,
        %swap3A_202 = vector.shape_cast %swap3A_201 : vector<1x16xf32> to vector<16xf32>
        %swap3A_203 = vector.shape_cast %scan3A_168#4 : vector<16xf32> to vector<1x16xf32>
        tpu.vector_store %arg10[%swap3A_199, %swap3A_200], %swap3A_203 {strides = array<i32>} : memref<8x128xf32, #tpu.memory_space<vmem>>, vector<1x16xf32>,
        %add3A_204 = arith.constant 0 : i32
        %add3A_205 = arith.addi %add3A_204, %scan3A_130 : i32
        %swap3A_206 = arith.index_cast %add3A_205 : i32 to index
        %swap3A_207 = arith.constant 80 : index
        %swap3A_208 = tpu.vector_load %arg10[%swap3A_206, %swap3A_207] {strides = array<i32>} : memref<8x128xf32, #tpu.memory_space<vmem>>, vector<1x16xf32>,
        %swap3A_209 = vector.shape_cast %swap3A_208 : vector<1x16xf32> to vector<16xf32>
        %swap3A_210 = vector.shape_cast %scan3A_168#5 : vector<16xf32> to vector<1x16xf32>
        tpu.vector_store %arg10[%swap3A_206, %swap3A_207], %swap3A_210 {strides = array<i32>} : memref<8x128xf32, #tpu.memory_space<vmem>>, vector<1x16xf32>,
        %add3A_211 = arith.constant 0 : i32
        %add3A_212 = arith.addi %add3A_211, %scan3A_130 : i32
        %swap3A_213 = arith.index_cast %add3A_212 : i32 to index
        %swap3A_214 = arith.constant 96 : index
        %swap3A_215 = tpu.vector_load %arg10[%swap3A_213, %swap3A_214] {strides = array<i32>} : memref<8x128xf32, #tpu.memory_space<vmem>>, vector<1x16xf32>,
        %swap3A_216 = vector.shape_cast %swap3A_215 : vector<1x16xf32> to vector<16xf32>
        %swap3A_217 = vector.shape_cast %scan3A_168#6 : vector<16xf32> to vector<1x16xf32>
        tpu.vector_store %arg10[%swap3A_213, %swap3A_214], %swap3A_217 {strides = array<i32>} : memref<8x128xf32, #tpu.memory_space<vmem>>, vector<1x16xf32>,
        %add3A_218 = arith.constant 0 : i32
        %add3A_219 = arith.addi %add3A_218, %scan3A_130 : i32
        %swap3A_220 = arith.index_cast %add3A_219 : i32 to index
        %swap3A_221 = arith.constant 112 : index
        %swap3A_222 = tpu.vector_load %arg10[%swap3A_220, %swap3A_221] {strides = array<i32>} : memref<8x128xf32, #tpu.memory_space<vmem>>, vector<1x16xf32>,
        %swap3A_223 = vector.shape_cast %swap3A_222 : vector<1x16xf32> to vector<16xf32>
        %swap3A_224 = vector.shape_cast %scan3A_168#7 : vector<16xf32> to vector<1x16xf32>
        tpu.vector_store %arg10[%swap3A_220, %swap3A_221], %swap3A_224 {strides = array<i32>} : memref<8x128xf32, #tpu.memory_space<vmem>>, vector<1x16xf32>,
      }
      %scan3A_96 = arith.constant 4 : i32
      %add3A_97 = arith.constant 4 : i32
      %add3A_98 = arith.addi %mul3A_33, %add3A_97 : i32
      %lt3A = arith.constant 80 : i32
      %lt3A_99 = arith.cmpi slt, %add3A_98, %lt3A : i32
      %convert_element_type3A_100 = arith.extui %lt3A_99 : i1 to i32
      %cond3A_101 = arith.constant 0 : i32
      %cond3A_102 = arith.cmpi ne, %convert_element_type3A_100, %cond3A_101 : i32
      scf.if %cond3A_102 {
        %add3A_130 = arith.constant 4 : i32
        %add3A_131 = arith.addi %mul3A_33, %add3A_130 : i32
        %mul3A_132 = arith.constant 128 : i32
        %mul3A_133 = arith.muli %add3A_131, %mul3A_132 : i32
        %dma_start3A_134 = tpu.memref_slice %arg6[%mul3A_133] : memref<10240xi32, #tpu.memory_space<vmem>> -> memref<128xi32, #tpu.memory_space<vmem>>
        %dma_start3A_135 = arith.constant 0 : i32
        %dma_start3A_136 = arith.constant 0 : i32
        %dma_start3A_137 = tpu.memref_slice %arg5[%dma_start3A_135, %dma_start3A_136] : memref<10000x128xf32, #tpu.memory_space<vmem_shared>> -> memref<10000x128xf32, #tpu.memory_space<vmem_shared>>
        tpu.enqueue_indirect_dma source(%dma_start3A_137 : memref<10000x128xf32, #tpu.memory_space<vmem_shared>>) target(%arg7 : memref<128x128xf32, #tpu.memory_space<vmem>>) offsets(%dma_start3A_134 : memref<128xi32, #tpu.memory_space<vmem>>) semaphore(%arg11 : memref<!tpu.dma_semaphore, #tpu.memory_space<semaphore_mem>>)
      } else {
      }
      %dma_wait3A_103 = arith.constant 0 : i32
      %dma_wait3A_104 = tpu.memref_slice %arg6[%dma_wait3A_103] : memref<10240xi32, #tpu.memory_space<vmem>> -> memref<128xi32, #tpu.memory_space<vmem>>
      %dma_wait3A_105 = arith.constant 0 : i32
      %dma_wait3A_106 = arith.constant 0 : i32
      %dma_wait3A_107 = tpu.memref_slice %arg5[%dma_wait3A_105, %dma_wait3A_106] : memref<10000x128xf32, #tpu.memory_space<vmem_shared>> -> memref<10000x128xf32, #tpu.memory_space<vmem_shared>>
      tpu.wait_indirect_dma semaphore(%arg12 : memref<!tpu.dma_semaphore, #tpu.memory_space<semaphore_mem>>) src(%dma_wait3A_107 : memref<10000x128xf32, #tpu.memory_space<vmem_shared>>) dst(%arg8 : memref<128x128xf32, #tpu.memory_space<vmem>>)
      %scan3A_108 = arith.constant 0 : i32
      %scan3A_109 = arith.constant 0 : i32
      %scan3A_110 = arith.constant 4 : i32
      %scan3A_111 = arith.addi %scan3A_109, %scan3A_110 : i32
      %scan3A_112 = arith.constant 1 : i32
      scf.for %scan3A_130 = %scan3A_109 to %scan3A_111 step %scan3A_112  : i32 {
        %mul3A_131 = arith.constant 32 : i32
        %mul3A_132 = arith.muli %scan3A_130, %mul3A_131 : i32
        %get3A = arith.index_cast %mul3A_132 : i32 to index
        %get3A_133 = arith.constant 0 : index
        %get3A_134 = tpu.vector_load %arg8[%get3A, %get3A_133] {strides = array<i32>} : memref<128x128xf32, #tpu.memory_space<vmem>>, vector<1x16xf32>,
        %get3A_135 = vector.shape_cast %get3A_134 : vector<1x16xf32> to vector<16xf32>
        %get3A_136 = arith.index_cast %mul3A_132 : i32 to index
        %get3A_137 = arith.constant 16 : index
        %get3A_138 = tpu.vector_load %arg8[%get3A_136, %get3A_137] {strides = array<i32>} : memref<128x128xf32, #tpu.memory_space<vmem>>, vector<1x16xf32>,
        %get3A_139 = vector.shape_cast %get3A_138 : vector<1x16xf32> to vector<16xf32>
        %get3A_140 = arith.index_cast %mul3A_132 : i32 to index
        %get3A_141 = arith.constant 32 : index
        %get3A_142 = tpu.vector_load %arg8[%get3A_140, %get3A_141] {strides = array<i32>} : memref<128x128xf32, #tpu.memory_space<vmem>>, vector<1x16xf32>,
        %get3A_143 = vector.shape_cast %get3A_142 : vector<1x16xf32> to vector<16xf32>
        %get3A_144 = arith.index_cast %mul3A_132 : i32 to index
        %get3A_145 = arith.constant 48 : index
        %get3A_146 = tpu.vector_load %arg8[%get3A_144, %get3A_145] {strides = array<i32>} : memref<128x128xf32, #tpu.memory_space<vmem>>, vector<1x16xf32>,
        %get3A_147 = vector.shape_cast %get3A_146 : vector<1x16xf32> to vector<16xf32>
        %get3A_148 = arith.index_cast %mul3A_132 : i32 to index
        %get3A_149 = arith.constant 64 : index
        %get3A_150 = tpu.vector_load %arg8[%get3A_148, %get3A_149] {strides = array<i32>} : memref<128x128xf32, #tpu.memory_space<vmem>>, vector<1x16xf32>,
        %get3A_151 = vector.shape_cast %get3A_150 : vector<1x16xf32> to vector<16xf32>
        %get3A_152 = arith.index_cast %mul3A_132 : i32 to index
        %get3A_153 = arith.constant 80 : index
        %get3A_154 = tpu.vector_load %arg8[%get3A_152, %get3A_153] {strides = array<i32>} : memref<128x128xf32, #tpu.memory_space<vmem>>, vector<1x16xf32>,
        %get3A_155 = vector.shape_cast %get3A_154 : vector<1x16xf32> to vector<16xf32>
        %get3A_156 = arith.index_cast %mul3A_132 : i32 to index
        %get3A_157 = arith.constant 96 : index
        %get3A_158 = tpu.vector_load %arg8[%get3A_156, %get3A_157] {strides = array<i32>} : memref<128x128xf32, #tpu.memory_space<vmem>>, vector<1x16xf32>,
        %get3A_159 = vector.shape_cast %get3A_158 : vector<1x16xf32> to vector<16xf32>
        %get3A_160 = arith.index_cast %mul3A_132 : i32 to index
        %get3A_161 = arith.constant 112 : index
        %get3A_162 = tpu.vector_load %arg8[%get3A_160, %get3A_161] {strides = array<i32>} : memref<128x128xf32, #tpu.memory_space<vmem>>, vector<1x16xf32>,
        %get3A_163 = vector.shape_cast %get3A_162 : vector<1x16xf32> to vector<16xf32>
        %scan3A_164 = arith.constant 1 : i32
        %scan3A_165 = arith.constant 31 : i32
        %scan3A_166 = arith.addi %scan3A_164, %scan3A_165 : i32
        %scan3A_167 = arith.constant 1 : i32
        %scan3A_168:8 = scf.for %scan3A_225 = %scan3A_164 to %scan3A_166 step %scan3A_167 iter_args(%scan3A_226 = %get3A_135, %scan3A_227 = %get3A_139, %scan3A_228 = %get3A_143, %scan3A_229 = %get3A_147, %scan3A_230 = %get3A_151, %scan3A_231 = %get3A_155, %scan3A_232 = %get3A_159, %scan3A_233 = %get3A_163) -> (vector<16xf32>, vector<16xf32>, vector<16xf32>, vector<16xf32>, vector<16xf32>, vector<16xf32>, vector<16xf32>, vector<16xf32>)  : i32 {
          %add3A_234 = arith.addi %mul3A_132, %scan3A_225 : i32
          %get3A_235 = arith.index_cast %add3A_234 : i32 to index
          %get3A_236 = arith.constant 0 : index
          %get3A_237 = tpu.vector_load %arg8[%get3A_235, %get3A_236] {strides = array<i32>} : memref<128x128xf32, #tpu.memory_space<vmem>>, vector<1x16xf32>,
          %get3A_238 = vector.shape_cast %get3A_237 : vector<1x16xf32> to vector<16xf32>
          %max3A = arith.maximumf %scan3A_226, %get3A_238 : vector<16xf32>
          %add3A_239 = arith.addi %mul3A_132, %scan3A_225 : i32
          %get3A_240 = arith.index_cast %add3A_239 : i32 to index
          %get3A_241 = arith.constant 16 : index
          %get3A_242 = tpu.vector_load %arg8[%get3A_240, %get3A_241] {strides = array<i32>} : memref<128x128xf32, #tpu.memory_space<vmem>>, vector<1x16xf32>,
          %get3A_243 = vector.shape_cast %get3A_242 : vector<1x16xf32> to vector<16xf32>
          %max3A_244 = arith.maximumf %scan3A_227, %get3A_243 : vector<16xf32>
          %add3A_245 = arith.addi %mul3A_132, %scan3A_225 : i32
          %get3A_246 = arith.index_cast %add3A_245 : i32 to index
          %get3A_247 = arith.constant 32 : index
          %get3A_248 = tpu.vector_load %arg8[%get3A_246, %get3A_247] {strides = array<i32>} : memref<128x128xf32, #tpu.memory_space<vmem>>, vector<1x16xf32>,
          %get3A_249 = vector.shape_cast %get3A_248 : vector<1x16xf32> to vector<16xf32>
          %max3A_250 = arith.maximumf %scan3A_228, %get3A_249 : vector<16xf32>
          %add3A_251 = arith.addi %mul3A_132, %scan3A_225 : i32
          %get3A_252 = arith.index_cast %add3A_251 : i32 to index
          %get3A_253 = arith.constant 48 : index
          %get3A_254 = tpu.vector_load %arg8[%get3A_252, %get3A_253] {strides = array<i32>} : memref<128x128xf32, #tpu.memory_space<vmem>>, vector<1x16xf32>,
          %get3A_255 = vector.shape_cast %get3A_254 : vector<1x16xf32> to vector<16xf32>
          %max3A_256 = arith.maximumf %scan3A_229, %get3A_255 : vector<16xf32>
          %add3A_257 = arith.addi %mul3A_132, %scan3A_225 : i32
          %get3A_258 = arith.index_cast %add3A_257 : i32 to index
          %get3A_259 = arith.constant 64 : index
          %get3A_260 = tpu.vector_load %arg8[%get3A_258, %get3A_259] {strides = array<i32>} : memref<128x128xf32, #tpu.memory_space<vmem>>, vector<1x16xf32>,
          %get3A_261 = vector.shape_cast %get3A_260 : vector<1x16xf32> to vector<16xf32>
          %max3A_262 = arith.maximumf %scan3A_230, %get3A_261 : vector<16xf32>
          %add3A_263 = arith.addi %mul3A_132, %scan3A_225 : i32
          %get3A_264 = arith.index_cast %add3A_263 : i32 to index
          %get3A_265 = arith.constant 80 : index
          %get3A_266 = tpu.vector_load %arg8[%get3A_264, %get3A_265] {strides = array<i32>} : memref<128x128xf32, #tpu.memory_space<vmem>>, vector<1x16xf32>,
          %get3A_267 = vector.shape_cast %get3A_266 : vector<1x16xf32> to vector<16xf32>
          %max3A_268 = arith.maximumf %scan3A_231, %get3A_267 : vector<16xf32>
          %add3A_269 = arith.addi %mul3A_132, %scan3A_225 : i32
          %get3A_270 = arith.index_cast %add3A_269 : i32 to index
          %get3A_271 = arith.constant 96 : index
          %get3A_272 = tpu.vector_load %arg8[%get3A_270, %get3A_271] {strides = array<i32>} : memref<128x128xf32, #tpu.memory_space<vmem>>, vector<1x16xf32>,
          %get3A_273 = vector.shape_cast %get3A_272 : vector<1x16xf32> to vector<16xf32>
          %max3A_274 = arith.maximumf %scan3A_232, %get3A_273 : vector<16xf32>
          %add3A_275 = arith.addi %mul3A_132, %scan3A_225 : i32
          %get3A_276 = arith.index_cast %add3A_275 : i32 to index
          %get3A_277 = arith.constant 112 : index
          %get3A_278 = tpu.vector_load %arg8[%get3A_276, %get3A_277] {strides = array<i32>} : memref<128x128xf32, #tpu.memory_space<vmem>>, vector<1x16xf32>,
          %get3A_279 = vector.shape_cast %get3A_278 : vector<1x16xf32> to vector<16xf32>
          %max3A_280 = arith.maximumf %scan3A_233, %get3A_279 : vector<16xf32>
          scf.yield %max3A, %max3A_244, %max3A_250, %max3A_256, %max3A_262, %max3A_268, %max3A_274, %max3A_280 : vector<16xf32>, vector<16xf32>, vector<16xf32>, vector<16xf32>, vector<16xf32>, vector<16xf32>, vector<16xf32>, vector<16xf32>
        }
        %scan3A_169 = arith.constant 31 : i32
        %add3A_170 = arith.constant 4 : i32
        %add3A_171 = arith.addi %add3A_170, %scan3A_130 : i32
        %swap3A = arith.index_cast %add3A_171 : i32 to index
        %swap3A_172 = arith.constant 0 : index
        %swap3A_173 = tpu.vector_load %arg10[%swap3A, %swap3A_172] {strides = array<i32>} : memref<8x128xf32, #tpu.memory_space<vmem>>, vector<1x16xf32>,
        %swap3A_174 = vector.shape_cast %swap3A_173 : vector<1x16xf32> to vector<16xf32>
        %swap3A_175 = vector.shape_cast %scan3A_168#0 : vector<16xf32> to vector<1x16xf32>
        tpu.vector_store %arg10[%swap3A, %swap3A_172], %swap3A_175 {strides = array<i32>} : memref<8x128xf32, #tpu.memory_space<vmem>>, vector<1x16xf32>,
        %add3A_176 = arith.constant 4 : i32
        %add3A_177 = arith.addi %add3A_176, %scan3A_130 : i32
        %swap3A_178 = arith.index_cast %add3A_177 : i32 to index
        %swap3A_179 = arith.constant 16 : index
        %swap3A_180 = tpu.vector_load %arg10[%swap3A_178, %swap3A_179] {strides = array<i32>} : memref<8x128xf32, #tpu.memory_space<vmem>>, vector<1x16xf32>,
        %swap3A_181 = vector.shape_cast %swap3A_180 : vector<1x16xf32> to vector<16xf32>
        %swap3A_182 = vector.shape_cast %scan3A_168#1 : vector<16xf32> to vector<1x16xf32>
        tpu.vector_store %arg10[%swap3A_178, %swap3A_179], %swap3A_182 {strides = array<i32>} : memref<8x128xf32, #tpu.memory_space<vmem>>, vector<1x16xf32>,
        %add3A_183 = arith.constant 4 : i32
        %add3A_184 = arith.addi %add3A_183, %scan3A_130 : i32
        %swap3A_185 = arith.index_cast %add3A_184 : i32 to index
        %swap3A_186 = arith.constant 32 : index
        %swap3A_187 = tpu.vector_load %arg10[%swap3A_185, %swap3A_186] {strides = array<i32>} : memref<8x128xf32, #tpu.memory_space<vmem>>, vector<1x16xf32>,
        %swap3A_188 = vector.shape_cast %swap3A_187 : vector<1x16xf32> to vector<16xf32>
        %swap3A_189 = vector.shape_cast %scan3A_168#2 : vector<16xf32> to vector<1x16xf32>
        tpu.vector_store %arg10[%swap3A_185, %swap3A_186], %swap3A_189 {strides = array<i32>} : memref<8x128xf32, #tpu.memory_space<vmem>>, vector<1x16xf32>,
        %add3A_190 = arith.constant 4 : i32
        %add3A_191 = arith.addi %add3A_190, %scan3A_130 : i32
        %swap3A_192 = arith.index_cast %add3A_191 : i32 to index
        %swap3A_193 = arith.constant 48 : index
        %swap3A_194 = tpu.vector_load %arg10[%swap3A_192, %swap3A_193] {strides = array<i32>} : memref<8x128xf32, #tpu.memory_space<vmem>>, vector<1x16xf32>,
        %swap3A_195 = vector.shape_cast %swap3A_194 : vector<1x16xf32> to vector<16xf32>
        %swap3A_196 = vector.shape_cast %scan3A_168#3 : vector<16xf32> to vector<1x16xf32>
        tpu.vector_store %arg10[%swap3A_192, %swap3A_193], %swap3A_196 {strides = array<i32>} : memref<8x128xf32, #tpu.memory_space<vmem>>, vector<1x16xf32>,
        %add3A_197 = arith.constant 4 : i32
        %add3A_198 = arith.addi %add3A_197, %scan3A_130 : i32
        %swap3A_199 = arith.index_cast %add3A_198 : i32 to index
        %swap3A_200 = arith.constant 64 : index
        %swap3A_201 = tpu.vector_load %arg10[%swap3A_199, %swap3A_200] {strides = array<i32>} : memref<8x128xf32, #tpu.memory_space<vmem>>, vector<1x16xf32>,
        %swap3A_202 = vector.shape_cast %swap3A_201 : vector<1x16xf32> to vector<16xf32>
        %swap3A_203 = vector.shape_cast %scan3A_168#4 : vector<16xf32> to vector<1x16xf32>
        tpu.vector_store %arg10[%swap3A_199, %swap3A_200], %swap3A_203 {strides = array<i32>} : memref<8x128xf32, #tpu.memory_space<vmem>>, vector<1x16xf32>,
        %add3A_204 = arith.constant 4 : i32
        %add3A_205 = arith.addi %add3A_204, %scan3A_130 : i32
        %swap3A_206 = arith.index_cast %add3A_205 : i32 to index
        %swap3A_207 = arith.constant 80 : index
        %swap3A_208 = tpu.vector_load %arg10[%swap3A_206, %swap3A_207] {strides = array<i32>} : memref<8x128xf32, #tpu.memory_space<vmem>>, vector<1x16xf32>,
        %swap3A_209 = vector.shape_cast %swap3A_208 : vector<1x16xf32> to vector<16xf32>
        %swap3A_210 = vector.shape_cast %scan3A_168#5 : vector<16xf32> to vector<1x16xf32>
        tpu.vector_store %arg10[%swap3A_206, %swap3A_207], %swap3A_210 {strides = array<i32>} : memref<8x128xf32, #tpu.memory_space<vmem>>, vector<1x16xf32>,
        %add3A_211 = arith.constant 4 : i32
        %add3A_212 = arith.addi %add3A_211, %scan3A_130 : i32
        %swap3A_213 = arith.index_cast %add3A_212 : i32 to index
        %swap3A_214 = arith.constant 96 : index
        %swap3A_215 = tpu.vector_load %arg10[%swap3A_213, %swap3A_214] {strides = array<i32>} : memref<8x128xf32, #tpu.memory_space<vmem>>, vector<1x16xf32>,
        %swap3A_216 = vector.shape_cast %swap3A_215 : vector<1x16xf32> to vector<16xf32>
        %swap3A_217 = vector.shape_cast %scan3A_168#6 : vector<16xf32> to vector<1x16xf32>
        tpu.vector_store %arg10[%swap3A_213, %swap3A_214], %swap3A_217 {strides = array<i32>} : memref<8x128xf32, #tpu.memory_space<vmem>>, vector<1x16xf32>,
        %add3A_218 = arith.constant 4 : i32
        %add3A_219 = arith.addi %add3A_218, %scan3A_130 : i32
        %swap3A_220 = arith.index_cast %add3A_219 : i32 to index
        %swap3A_221 = arith.constant 112 : index
        %swap3A_222 = tpu.vector_load %arg10[%swap3A_220, %swap3A_221] {strides = array<i32>} : memref<8x128xf32, #tpu.memory_space<vmem>>, vector<1x16xf32>,
        %swap3A_223 = vector.shape_cast %swap3A_222 : vector<1x16xf32> to vector<16xf32>
        %swap3A_224 = vector.shape_cast %scan3A_168#7 : vector<16xf32> to vector<1x16xf32>
        tpu.vector_store %arg10[%swap3A_220, %swap3A_221], %swap3A_224 {strides = array<i32>} : memref<8x128xf32, #tpu.memory_space<vmem>>, vector<1x16xf32>,
      }
      %scan3A_113 = arith.constant 4 : i32
      %add3A_114 = arith.constant 2 : i32
      %add3A_115 = arith.addi %mul3A_33, %add3A_114 : i32
      %mul3A_116 = arith.constant 4 : i32
      %mul3A_117 = arith.muli %add3A_115, %mul3A_116 : i32
      %add3A_118 = arith.addi %min3A_7, %mul3A_117 : i32
      %dma_start3A_119 = arith.constant 0 : i32
      %dma_start3A_120 = tpu.memref_slice %arg4[%add3A_118, %dma_start3A_119] : memref<10000x128xf32, #tpu.memory_space<hbm>> -> memref<8x128xf32, #tpu.memory_space<hbm>>
      %dma_start3A_121 = arith.constant 0 : i32
      %dma_start3A_122 = tpu.memref_slice %arg4[%add3A_118, %dma_start3A_121] : memref<10000x128xf32, #tpu.memory_space<hbm>> -> memref<8x128xf32, #tpu.memory_space<hbm>>
      tpu.enqueue_dma source(%arg10 : memref<8x128xf32, #tpu.memory_space<vmem>>) target(%dma_start3A_122 : memref<8x128xf32, #tpu.memory_space<hbm>>) target_semaphore(%arg14 : memref<!tpu.dma_semaphore, #tpu.memory_space<semaphore_mem>>)
      %add3A_123 = arith.constant 5 : i32
      %add3A_124 = arith.addi %mul3A_33, %add3A_123 : i32
      %lt3A_125 = arith.constant 80 : i32
      %lt3A_126 = arith.cmpi slt, %add3A_124, %lt3A_125 : i32
      %convert_element_type3A_127 = arith.extui %lt3A_126 : i1 to i32
      %cond3A_128 = arith.constant 0 : i32
      %cond3A_129 = arith.cmpi ne, %convert_element_type3A_127, %cond3A_128 : i32
      scf.if %cond3A_129 {
        %add3A_130 = arith.constant 5 : i32
        %add3A_131 = arith.addi %mul3A_33, %add3A_130 : i32
        %mul3A_132 = arith.constant 128 : i32
        %mul3A_133 = arith.muli %add3A_131, %mul3A_132 : i32
        %dma_start3A_134 = tpu.memref_slice %arg6[%mul3A_133] : memref<10240xi32, #tpu.memory_space<vmem>> -> memref<128xi32, #tpu.memory_space<vmem>>
        %dma_start3A_135 = arith.constant 0 : i32
        %dma_start3A_136 = arith.constant 0 : i32
        %dma_start3A_137 = tpu.memref_slice %arg5[%dma_start3A_135, %dma_start3A_136] : memref<10000x128xf32, #tpu.memory_space<vmem_shared>> -> memref<10000x128xf32, #tpu.memory_space<vmem_shared>>
        tpu.enqueue_indirect_dma source(%dma_start3A_137 : memref<10000x128xf32, #tpu.memory_space<vmem_shared>>) target(%arg8 : memref<128x128xf32, #tpu.memory_space<vmem>>) offsets(%dma_start3A_134 : memref<128xi32, #tpu.memory_space<vmem>>) semaphore(%arg12 : memref<!tpu.dma_semaphore, #tpu.memory_space<semaphore_mem>>)
      } else {
      }
    }
    %scan3A_23 = arith.constant 20 : i32
    %dma_wait3A = arith.constant 0 : i32
    %dma_wait3A_24 = tpu.memref_slice %arg4[%min3A_7, %dma_wait3A] : memref<10000x128xf32, #tpu.memory_space<hbm>> -> memref<8x128xf32, #tpu.memory_space<hbm>>
    %dma_wait3A_25 = arith.constant 0 : i32
    %dma_wait3A_26 = tpu.memref_slice %arg4[%min3A_7, %dma_wait3A_25] : memref<10000x128xf32, #tpu.memory_space<hbm>> -> memref<8x128xf32, #tpu.memory_space<hbm>>
    tpu.wait_dma2 semaphore(%arg13 : memref<!tpu.dma_semaphore, #tpu.memory_space<semaphore_mem>>) src(%arg9 : memref<8x128xf32, #tpu.memory_space<vmem>>) dst(%dma_wait3A_26 : memref<8x128xf32, #tpu.memory_space<hbm>>)
    %dma_wait3A_27 = arith.constant 0 : i32
    %dma_wait3A_28 = tpu.memref_slice %arg4[%min3A_7, %dma_wait3A_27] : memref<10000x128xf32, #tpu.memory_space<hbm>> -> memref<8x128xf32, #tpu.memory_space<hbm>>
    %dma_wait3A_29 = arith.constant 0 : i32
    %dma_wait3A_30 = tpu.memref_slice %arg4[%min3A_7, %dma_wait3A_29] : memref<10000x128xf32, #tpu.memory_space<hbm>> -> memref<8x128xf32, #tpu.memory_space<hbm>>
    tpu.wait_dma2 semaphore(%arg14 : memref<!tpu.dma_semaphore, #tpu.memory_space<semaphore_mem>>) src(%arg10 : memref<8x128xf32, #tpu.memory_space<vmem>>) dst(%dma_wait3A_30 : memref<8x128xf32, #tpu.memory_space<hbm>>)
    return
  }
}

</mosaic_0001>

<sc_bundles>
// kernel: kernel.3.cloned.1.call-start
scs
__scs_entry_jumppad:
0x0: {  	(pc) =	sbr.rel $0x88, $3  }
0x1: {  	(tag) =	ssettag $0x0;
	lr =	simm.s32 $0x1  }
0x2: {  	[smem:$0x3F9F] =	sst lr;
	_ =	strace $0xD0000000  }
0x3: {  	_ = 	snop  }
0x4: {  	_ = 	snop  }
0x5: {  	_ = 	snop  }
0x6: {  	_ = 	snop  }
0x7: {  	_ = 	snop  }
__scs_overlays_trampoline_lowered:
0x8: {  	[smem:$0x3FAE] =	sst s0  }
0x9: {  	[smem:$0x3FAF] =	sst s1  }
0xa: {  	[smem:$0x3FB0] =	sst s2  }
0xb: {  	[smem:$0x3FB1] =	sst s3  }
0xc: {  	[smem:$0x3FB2] =	sst s4  }
0xd: {  	[smem:$0x3FB3] =	sst s5  }
0xe: {  	[smem:$0x3FB4] =	sst s6  }
0xf: {  	[smem:$0x3FB5] =	sst s7  }
0x10: {  	[smem:$0x3FB6] =	sst s8  }
0x11: {  	[smem:$0x3FB7] =	sst s9;
	s0 =	simm.s32 @!p0 $0x0  }
0x12: {  	s1 =	sld [smem:$0x3F9D];
	s0 =	simm.s32 @p0 $0x1  }
0x13: {  	[smem:$0x3FB8] =	sst s0;
	s0 =	simm.s32 @!p1 $0x0  }
0x14: {  	s2 =	sld [smem:$0x3F9C];
	s0 =	simm.s32 @p1 $0x1  }
0x15: {  	[smem:$0x3FB9] =	sst s0;
	s0 =	simm.s32 @!p2 $0x0  }
0x16: {  	s3 =	sld [smem:$0x3FDB];
	s0 =	simm.s32 @p2 $0x1  }
0x17: {  	s4 =	simm.s32 $0x1BF5;
	[smem:$0x3FBB] =	sst s0  }
0x18: {  	s0 =	sld [smem:$0x3F9E];
	_ =	swait.ge [sflag:s4], $0x0  }
0x19: {  	s7 =	sld [smem:$0x3F9F]  }
0x1a: {  	s8 =	sadd.s32 $0xFFFFE003, lr  }
0x1b: {  	s9 =	sadd.s32 $0xFFFFFEF7, lr;
	s5 =	simm.s32 $0xFFFFFFFF;
	p2 =	slt.u32 s8, $0xFFFFF086  }
0x1c: {  	p1 =	slt.u32 s9, $0xF7A;
	s5 =	simm.s32 @!p2 $0x0  }
0x1d: {  	s5 =	simm.s32 @p1 $0x1;
	p0 =	seq.s32 s7, s2  }
0x1e: {  	s7 =	smul.u32 @!p0 $0xF7A, s2;
	p2 =	seq.s32 @!p0 s5, $0x0  }
0x1f: {  	s9 =	smul.u32 $0xF7A, s1;
	s8 =	simm.s32 @!p0 $0x1BF5;
	p2 =	por !p2, p0  }
0x20: {  	[sflag:s8] =	ssyncset.s32 @!p0 $0xFFFFF086;
	s6 =	sadd.s32 @!p0 s3, s7;
	s7 =	simm.s32 @!p0 $0x108  }
0x21: {  	s3 =	sadd.s32 s3, s9;
	s6 =	sadd.s32 @!p0 $0x88, s6;
	s7 =	simm.s32 @p2 $0x1082  }
0x22: {  	[simem:s7], [sflag:s8] =	dma.local @!p0 [hbm:s6], $0xF7A  }
0x23: {  	s9 =	sor.u32 $0xD0000000, s2;
	s6 =	simm.s32 $0x108;
	_ =	swait.ge @!p0 [sflag:s8], $0x0  }
0x24: {  	s3 =	sadd.s32 $0x88, s3;
	s6 =	simm.s32 @!p1 $0x1082;
	[sflag:s4] =	ssyncset.s32 $0xFFFFF086  }
0x25: {  	[simem:s6], [sflag:s4] =	dma.local [hbm:s3], $0xF7A  }
0x26: {  	[smem:$0x3F9F] =	sst s1;
	(tag) =	ssettag s2;
	_ =	strace s9  }
0x27: {  	s1 =	sld [smem:$0x3FAF]  }
0x28: {  	s2 =	sld [smem:$0x3FB0]  }
0x29: {  	s4 =	sld [smem:$0x3FB2]  }
0x2a: {  	p0 =	seq.s32 s5, $0x0;
	s5 =	sld [smem:$0x3FB3]  }
0x2b: {  	s6 =	sld [smem:$0x3FB4]  }
0x2c: {  	s7 =	sld [smem:$0x3FB5]  }
0x2d: {  	s3 =	simm.s32 $0x108;
	s8 =	sld [smem:$0x3FB6]  }
0x2e: {  	s3 =	simm.s32 @!p0 $0x1082;
	s9 =	sld [smem:$0x3FB7]  }
0x2f: {  	lr =	sadd.s32 s0, s3;
	s0 =	sld [smem:$0x3FAE]  }
0x30: {  	s3 =	sld [smem:$0x3FB1]  }
0x31: {  	[smem:$0x3FBA] =	sst s10  }
0x32: {  	s10 =	sld [smem:$0x3FB8];
	_ =	sdelay $0x3  }
0x33: {  	p0 =	seq.s32 s10, $0x1;
	s10 =	sld [smem:$0x3FBA];
	_ =	sdelay $0x3  }
0x34: {  	[smem:$0x3FBA] =	sst s10  }
0x35: {  	s10 =	sld [smem:$0x3FB9];
	_ =	sdelay $0x3  }
0x36: {  	p1 =	seq.s32 s10, $0x1;
	s10 =	sld [smem:$0x3FBA];
	_ =	sdelay $0x3  }
0x37: {  	[smem:$0x3FBA] =	sst s10  }
0x38: {  	s10 =	sld [smem:$0x3FBB]  }
0x39: {  	_ = 	snop;
	(pc) =	sbr.ind lr, $3  }
0x3a: {  	_ = 	snop  }
0x3b: {  	_ = 	snop  }
0x3c: {  	p2 =	seq.s32 s10, $0x1;
	s10 =	sld [smem:$0x3FBA]  }
0x3d: {  	_ =	shalt  }
0x3e: {  	_ =	shalt  }
0x3f: {  	_ =	shalt  }
0x40: {  	_ =	shalt  }
0x41: {  	_ =	shalt  }
0x42: {  	_ =	shalt  }
0x43: {  	_ =	shalt  }
0x44: {  	_ =	shalt  }
0x45: {  	_ =	shalt  }
0x46: {  	_ =	shalt  }
0x47: {  	_ =	shalt  }
0x48: {  	_ =	shalt  }
0x49: {  	_ =	shalt  }
0x4a: {  	_ =	shalt  }
0x4b: {  	_ =	shalt  }
0x4c: {  	_ =	shalt  }
0x4d: {  	_ =	shalt  }
0x4e: {  	_ =	shalt  }
0x4f: {  	_ =	shalt  }
0x50: {  	_ =	shalt  }
0x51: {  	_ =	shalt  }
0x52: {  	_ =	shalt  }
0x53: {  	_ =	shalt  }
0x54: {  	_ =	shalt  }
0x55: {  	_ =	shalt  }
0x56: {  	_ =	shalt  }
0x57: {  	_ =	shalt  }
0x58: {  	_ =	shalt  }
0x59: {  	_ =	shalt  }
0x5a: {  	_ =	shalt  }
0x5b: {  	_ =	shalt  }
0x5c: {  	_ =	shalt  }
0x5d: {  	_ =	shalt  }
0x5e: {  	_ =	shalt  }
0x5f: {  	_ =	shalt  }
0x60: {  	_ =	shalt  }
0x61: {  	_ =	shalt  }
0x62: {  	_ =	shalt  }
0x63: {  	_ =	shalt  }
0x64: {  	_ =	shalt  }
0x65: {  	_ =	shalt  }
0x66: {  	_ =	shalt  }
0x67: {  	_ =	shalt  }
0x68: {  	_ =	shalt  }
0x69: {  	_ =	shalt  }
0x6a: {  	_ =	shalt  }
0x6b: {  	_ =	shalt  }
0x6c: {  	_ =	shalt  }
0x6d: {  	_ =	shalt  }
0x6e: {  	_ =	shalt  }
0x6f: {  	_ =	shalt  }
0x70: {  	_ =	shalt  }
0x71: {  	_ =	shalt  }
0x72: {  	_ =	shalt  }
0x73: {  	_ =	shalt  }
0x74: {  	_ =	shalt  }
0x75: {  	_ =	shalt  }
0x76: {  	_ =	shalt  }
0x77: {  	_ =	shalt  }
0x78: {  	_ =	shalt  }
0x79: {  	_ =	shalt  }
0x7a: {  	_ =	shalt  }
0x7b: {  	_ =	shalt  }
0x7c: {  	_ =	shalt  }
0x7d: {  	_ =	shalt  }
0x7e: {  	_ =	shalt  }
0x7f: {  	_ =	shalt  }
0x80: {  	_ =	shalt  }
0x81: {  	_ =	shalt  }
0x82: {  	_ =	shalt  }
0x83: {  	_ =	shalt  }
0x84: {  	_ =	shalt  }
0x85: {  	_ =	shalt  }
0x86: {  	_ =	shalt  }
0x87: {  	_ =	shalt  }
.Lfunc_end0:
.L_simem_size_0:
called_computation_lowered:
.L_overlay_start_0:
0x88: {  	s2 =	sld [smem:$0x3FD9]  }
0x89: {  	s3 =	sld [smem:$0x3FFE];
	_ =	sdelay $0x1  }
0x8a: {  	s1 =	srdreg.scid  }
0x8b: {  	s0 =	sand.u32 $0x1, s1  }
0x8c: {  	s17 =	sshll.u32 s0, $0xA;
	s2 =	sadd.s32 s3, s2  }
0x8d: {  	s2 =	sadd.s32 s2, s17  }
0x8e: {  	[smem:$0x3FC6] =	sst s2  }
0x8f: {  	_ = 	snop  }
0x90: {  	s2 =	sld [smem:$0x3FC8]  }
0x91: {  	s18 =	sld [smem:$0x3FD0];
	(tm) =	ssettm $0x1  }
0x92: {  	s4 =	sld [smem:$0x3FFB];
	_ =	sdelay $0x3  }
0x93: {  	_ =	strace s4  }
0x94: {  	s4 =	sld [smem:$0x3FFC];
	_ =	sdelay $0x3  }
0x95: {  	_ =	strace s4  }
0x96: {  	s4 =	sld [smem:$0x3FFD];
	_ =	sdelay $0x3  }
0x97: {  	_ =	strace s4  }
0x98: {  	_ =	strace $0x8FFFFFFF  }
0x99: {  	s19 =	sld [smem:$0x3FDB];
	_ =	sdelay $0x1  }
0x9a: {  	s5 =	simm.s32 $_scs_section_size  }
0x9b: {  	s6 =	simm.s32 $_size__tile_overlayer_lowered;
	s7 =	simm.s32 $_tile_overlayer_lowered  }
0x9c: {  	s22 =	simm.s32 $0x1BFF;
	s21 =	sshll.u32 s7, $0x1;
	s4 =	sadd.s32 s5, s19  }
0x9d: {  	s8 =	simm.s32 $0x0;
	s20 =	sshll.u32 s6, $0x1;
	s6 =	sadd.s32 s21, s4  }
0x9e: {  	[timem:s8], [sflag:s22] =	dma.local [hbm:s6], s20  }
0x9f: {  	_ =	swait.ge [sflag:s22], s20  }
0xa0: {  	s5 =	ssub.s32 $0x0, s20;
	[sflag:s22] =	ssyncset.done $0x0  }
0xa1: {  	[sflag:s22] =	ssyncadd.s32 s5;
	_ =	sdelay $0x1  }
0xa2: {  	s23 =	simm.s32 $0x1B8B  }
0xa3: {  	_ =	swait.ge [sflag:s23], $0x1  }
0xa4: {  	[sflag:s23] =	ssyncset.done $0x0  }
0xa5: {  	s25 =	simm.s32 $0x1B8E;
	s24 =	sld [smem:$0x3FFE];
	[sflag:s23] =	ssyncadd.s32 $0xFFFFFFFF  }
0xa6: {  	s26 =	simm.s32 $execute0_lowered;
	[smem:$0x3FD2] =	sst s25  }
0xa7: {  	s6 =	sshll.u32 s26, $0x1;
	_ =	strace $0x80000046;
	[dreg:$0x1] =	wrdreg $0xFFFFFFFF  }
0xa8: {  	s28 =	simm.s32 $_size_execute0_lowered;
	s4 =	sadd.s32 s4, s6;
	[dreg:$0x0] =	wrdreg $0x0  }
0xa9: {  	s6 =	sshll.u32 s28, $0x1;
	[dreg:$0x2] =	wrdreg s4  }
0xaa: {  	[dreg:$0x3] =	wrdreg s6  }
0xab: {  	[dreg:$0x4] =	wrdreg $0xC0  }
0xac: {  	_ =	task [dreg:s8], $0x5FFFF  }
0xad: {  	[dreg:$0x1] =	wrdreg $0xFFFFFFFF  }
0xae: {  	[dreg:$0x0] =	wrdreg $0x60  }
0xaf: {  	[dreg:$0x2] =	wrdreg s24  }
0xb0: {  	[dreg:$0x3] =	wrdreg s2  }
0xb1: {  	[dreg:$0x4] =	wrdreg s18  }
0xb2: {  	[dreg:$0x5] =	wrdreg $0x0  }
0xb3: {  	[dreg:$0x6] =	wrdreg $0x9  }
0xb4: {  	_ =	task.clear_ibuf [dreg:s8], $0x7FFFF;
	_ =	strace $0x90000046  }
0xb5: {  	s29 =	simm.s32 $0x9;
	_ =	strace $0x80000048  }
0xb6: {  	_ =	swait.ge [sflag:s29], $0x1  }
0xb7: {  	[sflag:s29] =	ssyncadd.s32 $0xFFFFFFFF  }
0xb8: {  	_ =	strace $0x90000048  }
0xb9: {  	_ =	sfence  }
0xba: {  	s30 =	sld [smem:$0x0];
	_ =	sdelay $0x2  }
0xbb: {  	s31 =	sshll.u32 s1, $0xD;
	s1 =	sshrl.u32 s1, $0x2  }
0xbc: {  	s3 =	sand.u32 $0x4000, s31;
	s1 =	sadd.s32 s1, s30  }
0xbd: {  	s0 =	sor.u32 s3, s0;
	s1 =	sshll.u32 s1, $0x11  }
0xbe: {  	s0 =	sor.u32 s1, s0  }
0xbf: {  	s0 =	sadd.s32 $0x8F2B, s0  }
0xc0: {  	[sflag:s0] =	ssyncadd.remote.s32 $0x1  }
0xc1: {  	_ =	sfence.sel $0xFFFF  }
0xc2: {  	[dreg:$0x0] =	wrdreg $0xFFFFFFFF;
	(pc) =	sbr.abs _section_cstart, $3  }
0xc3: {  	[dreg:$0x1] =	wrdreg $0xFFFFFFFF  }
0xc4: {  	_ =	task.clear_ibuf [dreg:s8], $0x2FFFF;
	_ =	strace $0x9FFFFFFF  }
0xc5: {  	(tm) =	ssettm $0x7FFFFFFF  }
tec
execute0_lowered:
.L_overlay_start_1:
0x0: {  	(tag) =	ssettag $0x1  }
0x1: {  	s4 =	rddreg [dreg:$0x0]  }
0x2: {  	s5 =	rddreg [dreg:$0x1];
	s1 =	srdreg.scid  }
0x3: {  	s0 =	stileid.u32;
	s7 =	rddreg [dreg:$0x2]  }
0x4: {  	s2 =	rddreg [dreg:$0x3];
	s3 =	simm.s32 $0x0;
	s13 =	simm.s32 $0x16080  }
0x5: {  	s14 =	simm.s32 $0x13900;
	s15 =	simm.s32 $0x1A080;
	s16 =	simm.s32 $0x1  }
0x6: {  	s17 =	simm.s32 $0x2;
	s18 =	simm.s32 $0x1E080;
	s19 =	simm.s32 $0x1E480  }
0x7: {  	s20 =	simm.s32 $0x3;
	s21 =	simm.s32 $0x4;
	s22 =	simm.s32 $0x0  }
0x8: {  	s6 =	sand.u32 $0x1, s1;
	s28 =	sshll.u32 s0, $0x1;
	s1 =	rddreg [dreg:$0x4]  }
0x9: {  	[smem:$0x7FF] =	sst s3;
	s9 =	smul.u32 $0x278, s0;
	s31 =	sshll.u32 s0, $0x6  }
0xa: {  	s8 =	sor.u32 s6, s28;
	_ =	strace $0x80000047;
	s6 =	ssub.s32 $0x2, s6  }
0xb: {  	s8 =	smul.u32 $0x140, s8;
	s9 =	smin.u32 s9, $0x2498;
	s29 =	sshrl.u32 s6, $0x1  }
0xc: {  	s11 =	sshll.u32 s9, $0x7;
	s12 =	ssub.s32 s6, s29;
	s30 =	sshll.u32 s9, $0x4  }
.Ltmp0:
0xd: {  	s8 =	smin.u32 s8, $0x25D0;
	s11 =	sadd.s32 s11, s2;
	(pc) =	sbr.rel .LBB2_1-.Ltmp0, $4  }
0xe: {  	s10 =	sshll.u32 s8, $0x2;
	s8 =	sshll.u32 s8, $0x4;
	s9 =	sshrl.u32 s11, $0x3  }
0xf: {  	s11 =	simm.s32 $0x13880;
	s10 =	sadd.s32 s10, s4;
	s4 =	sadd.s32 s5, s30  }
0x10: {  	s5 =	sor.u32 $0x1C05, s31;
	s7 =	sadd.s32 s7, s8;
	s8 =	smax.u32 s12, $0x1  }
0x11: {  	s12 =	simm.s32 $0x80;
	s6 =	sadd.s32 $0x400, s10;
	s10 =	simm.s32 $0x5  }
.LBB2_20:
0x12: {  	s22 =	sadd.s32 $0x1, s22  }
0x13: {  	_ =	swait.ge [sflag:s20], $0x400;
	p0 =	sne.s32 s22, s8  }
.Ltmp1:
0x14: {  	[sflag:s20] =	ssyncset.done $0x0;
	(pc) =	sbr.rel @!p0 .LBB2_21-.Ltmp1, $4  }
0x15: {  	[sflag:s20] =	ssyncadd.s32 $0xFFFFFC00  }
0x16: {  	_ =	swait.ge [sflag:s21], $0x400  }
0x17: {  	[sflag:s21] =	ssyncset.done $0x0  }
0x18: {  	[sflag:s21] =	ssyncadd.s32 $0xFFFFFC00  }
.LBB2_1:
0x19: {  	[spmem:s9], [sflag:s5] =	dma.local [hbm:s4], $0x2780  }
0x1a: {  	_ =	swait.ge [sflag:s10], $0x2780  }
0x1b: {  	[sflag:s10] =	ssyncset.done $0x0  }
0x1c: {  	[sflag:s10] =	ssyncadd.s32 $0xFFFFD880  }
0x1d: {  	[tilespmem:s11], [sflag:$0x5] =	stream.linear.gather [hbm4b:s6+s3], $0x2800, $0x38;
	[tilespmem:$0x1E880] =	vst v63  }
0x1e: {  	_ =	swait.ge [sflag:s10], $0x2800  }
0x1f: {  	[sflag:s10] =	ssyncset.done $0x0  }
0x20: {  	[sflag:s10] =	ssyncadd.s32 $0xFFFFD800  }
0x21: {  	[bflag:$0x0] =	sbarrier.arrive $0xFFFF  }
0x22: {  	[tilespmem:s13], [sflag:$0x1] =	stream.indirect.gather [spmem:s2], $0x80, s11, s12, $0xb8;
	[tilespmem:$0x1E880] =	vst v63  }
0x23: {  	s23 =	simm.s32 $0x0  }
0x24: {  	[tilespmem:s15], [sflag:$0x2] =	stream.indirect.gather [spmem:s2], $0x80, s14, s12, $0xb8;
	[tilespmem:$0x1E880] =	vst v63  }
.LBB2_2:
0x25: {  	_ =	swait.ge [sflag:s16], $0x4000  }
0x26: {  	p0 =	seq.s32 s23, $0x0;
	[sflag:s16] =	ssyncset.done $0x0  }
0x27: {  	s25 =	simm.s32 @!p0 $0x3;
	[sflag:s16] =	ssyncadd.s32 $0xFFFFC000  }
0x28: {  	_ =	swait.ge @!p0 [sflag:s25], $0x400  }
0x29: {  	s24 =	sshll.u32 s23, $0x2;
	[sflag:s25] =	ssyncset.done @!p0 $0x0  }
0x2a: {  	s26 =	simm.s32 $0x16100;
	[sflag:s25] =	ssyncadd.s32 @!p0 $0xFFFFFC00;
	s25 =	simm.s32 $0x0  }
.LBB2_3:
0x2b: {  	s28 =	sshll.u32 s25, $0xE  }
0x2c: {  	s28 =	sshra.s32 s28, $0x2  }
0x2d: {  	v10 =	vld [tilespmem:s28+$0x16080]  }
0x2e: {  	v6 =	vld [tilespmem:s28+$0x16090]  }
0x2f: {  	v5 =	vld [tilespmem:s28+$0x160A0]  }
0x30: {  	v7 =	vmov s26;
	v4 =	vld [tilespmem:s28+$0x160B0]  }
0x31: {  	v2 =	vld [tilespmem:s28+$0x160C0]  }
0x32: {  	v1 =	vld [tilespmem:s28+$0x160D0]  }
0x33: {  	v0 =	vld [tilespmem:s28+$0x160E0]  }
0x34: {  	s30 =	simm.s32 $0x0;
	v3 =	vld [tilespmem:s28+$0x160F0]  }
0x35: {  	v14 =	vld.idx.msk [tilespmem:v7+s30+$0x70 ss:$0x1], $0xffff  }
0x36: {  	v15 =	vld.idx.msk [tilespmem:v7+s30+$0x0 ss:$0x1], $0xffff  }
0x37: {  	v13 =	vld.idx.msk [tilespmem:v7+s30+$0x10 ss:$0x1], $0xffff  }
0x38: {  	v12 =	vld.idx.msk [tilespmem:v7+s30+$0x20 ss:$0x1], $0xffff  }
0x39: {  	v11 =	vld.idx.msk [tilespmem:v7+s30+$0x30 ss:$0x1], $0xffff  }
0x3a: {  	v9 =	vld.idx.msk [tilespmem:v7+s30+$0x40 ss:$0x1], $0xffff  }
0x3b: {  	v8 =	vld.idx.msk [tilespmem:v7+s30+$0x50 ss:$0x1], $0xffff  }
0x3c: {  	s29 =	simm.s32 $0x400;
	s28 =	simm.s32 $0x80;
	v3 =	vmax.f32 v3, v14;
	v14 =	vmax.f32 v10, v15;
	v10 =	vld.idx.msk [tilespmem:v7+s30+$0x60 ss:$0x1], $0xffff  }
.LBB2_4:
0x3d: {  	p1 =	sne.s32 s29, $0x3C00;
	v15 =	vld.idx.msk [tilespmem:v7+s28+$0x70 ss:$0x1], $0xffff;
	v6 =	vmax.f32 v6, v13  }
0x3e: {  	v5 =	vmax.f32 v5, v12;
	v16 =	vld.idx.msk [tilespmem:v7+s28+$0x0 ss:$0x1], $0xffff  }
0x3f: {  	v4 =	vmax.f32 v4, v11;
	v13 =	vld.idx.msk [tilespmem:v7+s28+$0x10 ss:$0x1], $0xffff  }
.Ltmp2:
0x40: {  	v2 =	vmax.f32 v2, v9;
	v12 =	vld.idx.msk [tilespmem:v7+s28+$0x20 ss:$0x1], $0xffff;
	(pc) =	sbr.rel @p1 .LBB2_4-.Ltmp2, $4  }
0x41: {  	v1 =	vmax.f32 v1, v8;
	v11 =	vld.idx.msk [tilespmem:v7+s28+$0x30 ss:$0x1], $0xffff  }
0x42: {  	v0 =	vmax.f32 v0, v10;
	v9 =	vld.idx.msk [tilespmem:v7+s28+$0x40 ss:$0x1], $0xffff  }
0x43: {  	v3 =	vmax.f32 v3, v15;
	v8 =	vld.idx.msk [tilespmem:v7+s28+$0x50 ss:$0x1], $0xffff  }
0x44: {  	v14 =	vmax.f32 v14, v16;
	v10 =	vld.idx.msk [tilespmem:v7+s28+$0x60 ss:$0x1], $0xffff;
	s28 =	sshra.s32 s29, $0x2;
	s29 =	sadd.s32 $0x200, s29  }
0x45: {  	_ =	sdelay $0x3  }
0x46: {  	v15 =	vld.idx.msk [tilespmem:v7+s28+$0x70 ss:$0x1], $0xffff  }
0x47: {  	v16 =	vld.idx.msk [tilespmem:v7+s28+$0x0 ss:$0x1], $0xffff  }
0x48: {  	v17 =	vld.idx.msk [tilespmem:v7+s28+$0x10 ss:$0x1], $0xffff  }
0x49: {  	v18 =	vld.idx.msk [tilespmem:v7+s28+$0x20 ss:$0x1], $0xffff  }
0x4a: {  	v19 =	vld.idx.msk [tilespmem:v7+s28+$0x30 ss:$0x1], $0xffff  }
0x4b: {  	v20 =	vld.idx.msk [tilespmem:v7+s28+$0x40 ss:$0x1], $0xffff;
	s29 =	sshll.u32 s25, $0x7  }
0x4c: {  	v21 =	vld.idx.msk [tilespmem:v7+s28+$0x50 ss:$0x1], $0xffff;
	v6 =	vmax.f32 v6, v13;
	s31 =	sand.u32 $0x3FFFFF80, s29;
	v62 =	vmax.f32 v14, v16  }
0x4d: {  	v61 =	vld.idx.msk [tilespmem:v7+s28+$0x60 ss:$0x1], $0xffff;
	v5 =	vmax.f32 v5, v12;
	v6 =	vmax.f32 v6, v17;
	[tilespmem:s31+$0x1E080] =	vst v62  }
0x4e: {  	s25 =	sadd.s32 $0x1, s25;
	v4 =	vmax.f32 v4, v11;
	v5 =	vmax.f32 v5, v18;
	[tilespmem:s31+$0x1E090] =	vst v6  }
0x4f: {  	p1 =	sne.s32 s25, $0x4;
	v2 =	vmax.f32 v2, v9;
	v4 =	vmax.f32 v4, v19;
	[tilespmem:s31+$0x1E0A0] =	vst v5  }
.Ltmp3:
0x50: {  	v1 =	vmax.f32 v1, v8;
	v2 =	vmax.f32 v2, v20;
	[tilespmem:s31+$0x1E0B0] =	vst v4;
	(pc) =	sbr.rel @p1 .LBB2_3-.Ltmp3, $4  }
0x51: {  	v0 =	vmax.f32 v0, v10;
	v1 =	vmax.f32 v1, v21;
	[tilespmem:s31+$0x1E0C0] =	vst v2  }
0x52: {  	v0 =	vmax.f32 v0, v61;
	[tilespmem:s31+$0x1E0D0] =	vst v1  }
0x53: {  	v63 =	vmax.f32 v3, v15;
	[tilespmem:s31+$0x1E0E0] =	vst v0  }
0x54: {  	s26 =	sadd.s32 $0x1000, s26;
	[tilespmem:s31+$0x1E0F0] =	vst v63  }
0x55: {  	s24 =	sor.u32 $0x2, s24  }
0x56: {  	s25 =	sshll.u32 s24, $0x7  }
0x57: {  	s25 =	sand.u32 $0x3FFFFF80, s25  }
0x58: {  	s25 =	sadd.s32 $0x13880, s25  }
0x59: {  	[tilespmem:s13], [sflag:$0x1] =	stream.indirect.gather [spmem:s2], $0x80, s25, s12, $0xb8;
	[tilespmem:$0x1E880] =	vst v63  }
0x5a: {  	_ =	swait.ge [sflag:s17], $0x4000  }
0x5b: {  	[sflag:s17] =	ssyncset.done $0x0  }
0x5c: {  	s26 =	simm.s32 $0x1A100;
	s25 =	simm.s32 $0x0;
	[sflag:s17] =	ssyncadd.s32 $0xFFFFC000  }
.LBB2_7:
0x5d: {  	s28 =	sshll.u32 s25, $0xE  }
0x5e: {  	s28 =	sshra.s32 s28, $0x2  }
0x5f: {  	v10 =	vld [tilespmem:s28+$0x1A080]  }
0x60: {  	v6 =	vld [tilespmem:s28+$0x1A090]  }
0x61: {  	v5 =	vld [tilespmem:s28+$0x1A0A0]  }
0x62: {  	v7 =	vmov s26;
	v4 =	vld [tilespmem:s28+$0x1A0B0]  }
0x63: {  	v2 =	vld [tilespmem:s28+$0x1A0C0]  }
0x64: {  	v1 =	vld [tilespmem:s28+$0x1A0D0]  }
0x65: {  	v0 =	vld [tilespmem:s28+$0x1A0E0]  }
0x66: {  	s30 =	simm.s32 $0x0;
	v3 =	vld [tilespmem:s28+$0x1A0F0]  }
0x67: {  	v14 =	vld.idx.msk [tilespmem:v7+s30+$0x70 ss:$0x1], $0xffff  }
0x68: {  	v15 =	vld.idx.msk [tilespmem:v7+s30+$0x0 ss:$0x1], $0xffff  }
0x69: {  	v13 =	vld.idx.msk [tilespmem:v7+s30+$0x10 ss:$0x1], $0xffff  }
0x6a: {  	v12 =	vld.idx.msk [tilespmem:v7+s30+$0x20 ss:$0x1], $0xffff  }
0x6b: {  	v11 =	vld.idx.msk [tilespmem:v7+s30+$0x30 ss:$0x1], $0xffff  }
0x6c: {  	v9 =	vld.idx.msk [tilespmem:v7+s30+$0x40 ss:$0x1], $0xffff  }
0x6d: {  	v8 =	vld.idx.msk [tilespmem:v7+s30+$0x50 ss:$0x1], $0xffff  }
0x6e: {  	s29 =	simm.s32 $0x400;
	s28 =	simm.s32 $0x80;
	v3 =	vmax.f32 v3, v14;
	v14 =	vmax.f32 v10, v15;
	v10 =	vld.idx.msk [tilespmem:v7+s30+$0x60 ss:$0x1], $0xffff  }
.LBB2_8:
0x6f: {  	p1 =	sne.s32 s29, $0x3C00;
	v15 =	vld.idx.msk [tilespmem:v7+s28+$0x70 ss:$0x1], $0xffff;
	v6 =	vmax.f32 v6, v13  }
0x70: {  	v5 =	vmax.f32 v5, v12;
	v16 =	vld.idx.msk [tilespmem:v7+s28+$0x0 ss:$0x1], $0xffff  }
0x71: {  	v4 =	vmax.f32 v4, v11;
	v13 =	vld.idx.msk [tilespmem:v7+s28+$0x10 ss:$0x1], $0xffff  }
.Ltmp4:
0x72: {  	v2 =	vmax.f32 v2, v9;
	v12 =	vld.idx.msk [tilespmem:v7+s28+$0x20 ss:$0x1], $0xffff;
	(pc) =	sbr.rel @p1 .LBB2_8-.Ltmp4, $4  }
0x73: {  	v1 =	vmax.f32 v1, v8;
	v11 =	vld.idx.msk [tilespmem:v7+s28+$0x30 ss:$0x1], $0xffff  }
0x74: {  	v0 =	vmax.f32 v0, v10;
	v9 =	vld.idx.msk [tilespmem:v7+s28+$0x40 ss:$0x1], $0xffff  }
0x75: {  	v3 =	vmax.f32 v3, v15;
	v8 =	vld.idx.msk [tilespmem:v7+s28+$0x50 ss:$0x1], $0xffff  }
0x76: {  	v14 =	vmax.f32 v14, v16;
	v10 =	vld.idx.msk [tilespmem:v7+s28+$0x60 ss:$0x1], $0xffff;
	s28 =	sshra.s32 s29, $0x2;
	s29 =	sadd.s32 $0x200, s29  }
0x77: {  	_ =	sdelay $0x3  }
0x78: {  	v15 =	vld.idx.msk [tilespmem:v7+s28+$0x70 ss:$0x1], $0xffff  }
0x79: {  	v16 =	vld.idx.msk [tilespmem:v7+s28+$0x0 ss:$0x1], $0xffff  }
0x7a: {  	v17 =	vld.idx.msk [tilespmem:v7+s28+$0x10 ss:$0x1], $0xffff  }
0x7b: {  	v18 =	vld.idx.msk [tilespmem:v7+s28+$0x20 ss:$0x1], $0xffff  }
0x7c: {  	v19 =	vld.idx.msk [tilespmem:v7+s28+$0x30 ss:$0x1], $0xffff  }
0x7d: {  	v20 =	vld.idx.msk [tilespmem:v7+s28+$0x40 ss:$0x1], $0xffff;
	s29 =	sshll.u32 s25, $0x7  }
0x7e: {  	v21 =	vld.idx.msk [tilespmem:v7+s28+$0x50 ss:$0x1], $0xffff;
	v6 =	vmax.f32 v6, v13;
	s31 =	sand.u32 $0x3FFFFF80, s29;
	v62 =	vmax.f32 v14, v16  }
0x7f: {  	v61 =	vld.idx.msk [tilespmem:v7+s28+$0x60 ss:$0x1], $0xffff;
	v5 =	vmax.f32 v5, v12;
	v6 =	vmax.f32 v6, v17;
	[tilespmem:s31+$0x1E280] =	vst v62  }
0x80: {  	s25 =	sadd.s32 $0x1, s25;
	v4 =	vmax.f32 v4, v11;
	v5 =	vmax.f32 v5, v18;
	[tilespmem:s31+$0x1E290] =	vst v6  }
0x81: {  	p1 =	sne.s32 s25, $0x4;
	v2 =	vmax.f32 v2, v9;
	v4 =	vmax.f32 v4, v19;
	[tilespmem:s31+$0x1E2A0] =	vst v5  }
.Ltmp5:
0x82: {  	v1 =	vmax.f32 v1, v8;
	v2 =	vmax.f32 v2, v20;
	[tilespmem:s31+$0x1E2B0] =	vst v4;
	(pc) =	sbr.rel @p1 .LBB2_7-.Ltmp5, $4  }
0x83: {  	v0 =	vmax.f32 v0, v10;
	v1 =	vmax.f32 v1, v21;
	[tilespmem:s31+$0x1E2C0] =	vst v2  }
0x84: {  	v0 =	vmax.f32 v0, v61;
	[tilespmem:s31+$0x1E2D0] =	vst v1  }
0x85: {  	v63 =	vmax.f32 v3, v15;
	[tilespmem:s31+$0x1E2E0] =	vst v0  }
0x86: {  	s26 =	sadd.s32 $0x1000, s26;
	[tilespmem:s31+$0x1E2F0] =	vst v63  }
0x87: {  	s25 =	sshll.u32 s23, $0x8  }
0x88: {  	s31 =	sshll.u32 s23, $0x9;
	s25 =	sadd.s32 s25, s7  }
0x89: {  	[hbm4b:s25+s3] =	stream.linear.scatter [tilespmem:s18], [sflag:$0x3], $0x400, $0x38;
	[tilespmem:$0x1E880] =	vst v63  }
0x8a: {  	s25 =	sand.u32 $0x3FFFFE00, s31  }
0x8b: {  	s26 =	sadd.s32 $0x13A00, s25  }
0x8c: {  	[tilespmem:s15], [sflag:$0x2] =	stream.indirect.gather [spmem:s2], $0x80, s26, s12, $0xb8;
	[tilespmem:$0x1E880] =	vst v63  }
0x8d: {  	_ =	swait.ge [sflag:s16], $0x4000  }
0x8e: {  	[sflag:s16] =	ssyncset.done $0x0  }
0x8f: {  	s26 =	simm.s32 @!p0 $0x4;
	[sflag:s16] =	ssyncadd.s32 $0xFFFFC000  }
0x90: {  	_ =	swait.ge @!p0 [sflag:s26], $0x400  }
0x91: {  	[sflag:s26] =	ssyncset.done @!p0 $0x0  }
0x92: {  	s28 =	simm.s32 $0x16100;
	[sflag:s26] =	ssyncadd.s32 @!p0 $0xFFFFFC00;
	s26 =	simm.s32 $0x0  }
.LBB2_11:
0x93: {  	s29 =	sshll.u32 s26, $0xE  }
0x94: {  	s29 =	sshra.s32 s29, $0x2  }
0x95: {  	v10 =	vld [tilespmem:s29+$0x16080]  }
0x96: {  	v6 =	vld [tilespmem:s29+$0x16090]  }
0x97: {  	v5 =	vld [tilespmem:s29+$0x160A0]  }
0x98: {  	v7 =	vmov s28;
	v4 =	vld [tilespmem:s29+$0x160B0]  }
0x99: {  	v2 =	vld [tilespmem:s29+$0x160C0]  }
0x9a: {  	v1 =	vld [tilespmem:s29+$0x160D0]  }
0x9b: {  	v0 =	vld [tilespmem:s29+$0x160E0]  }
0x9c: {  	s31 =	simm.s32 $0x0;
	v3 =	vld [tilespmem:s29+$0x160F0]  }
0x9d: {  	v14 =	vld.idx.msk [tilespmem:v7+s31+$0x70 ss:$0x1], $0xffff  }
0x9e: {  	v15 =	vld.idx.msk [tilespmem:v7+s31+$0x0 ss:$0x1], $0xffff  }
0x9f: {  	v13 =	vld.idx.msk [tilespmem:v7+s31+$0x10 ss:$0x1], $0xffff  }
0xa0: {  	v12 =	vld.idx.msk [tilespmem:v7+s31+$0x20 ss:$0x1], $0xffff  }
0xa1: {  	v11 =	vld.idx.msk [tilespmem:v7+s31+$0x30 ss:$0x1], $0xffff  }
0xa2: {  	v9 =	vld.idx.msk [tilespmem:v7+s31+$0x40 ss:$0x1], $0xffff  }
0xa3: {  	v8 =	vld.idx.msk [tilespmem:v7+s31+$0x50 ss:$0x1], $0xffff  }
0xa4: {  	s30 =	simm.s32 $0x400;
	s29 =	simm.s32 $0x80;
	v3 =	vmax.f32 v3, v14;
	v14 =	vmax.f32 v10, v15;
	v10 =	vld.idx.msk [tilespmem:v7+s31+$0x60 ss:$0x1], $0xffff  }
.LBB2_12:
0xa5: {  	p0 =	sne.s32 s30, $0x3C00;
	v15 =	vld.idx.msk [tilespmem:v7+s29+$0x70 ss:$0x1], $0xffff;
	v6 =	vmax.f32 v6, v13  }
0xa6: {  	v5 =	vmax.f32 v5, v12;
	v16 =	vld.idx.msk [tilespmem:v7+s29+$0x0 ss:$0x1], $0xffff  }
0xa7: {  	v4 =	vmax.f32 v4, v11;
	v13 =	vld.idx.msk [tilespmem:v7+s29+$0x10 ss:$0x1], $0xffff  }
.Ltmp6:
0xa8: {  	v2 =	vmax.f32 v2, v9;
	v12 =	vld.idx.msk [tilespmem:v7+s29+$0x20 ss:$0x1], $0xffff;
	(pc) =	sbr.rel @p0 .LBB2_12-.Ltmp6, $4  }
0xa9: {  	v1 =	vmax.f32 v1, v8;
	v11 =	vld.idx.msk [tilespmem:v7+s29+$0x30 ss:$0x1], $0xffff  }
0xaa: {  	v0 =	vmax.f32 v0, v10;
	v9 =	vld.idx.msk [tilespmem:v7+s29+$0x40 ss:$0x1], $0xffff  }
0xab: {  	v3 =	vmax.f32 v3, v15;
	v8 =	vld.idx.msk [tilespmem:v7+s29+$0x50 ss:$0x1], $0xffff  }
0xac: {  	v14 =	vmax.f32 v14, v16;
	v10 =	vld.idx.msk [tilespmem:v7+s29+$0x60 ss:$0x1], $0xffff;
	s29 =	sshra.s32 s30, $0x2;
	s30 =	sadd.s32 $0x200, s30  }
0xad: {  	_ =	sdelay $0x3  }
0xae: {  	v15 =	vld.idx.msk [tilespmem:v7+s29+$0x70 ss:$0x1], $0xffff  }
0xaf: {  	v16 =	vld.idx.msk [tilespmem:v7+s29+$0x0 ss:$0x1], $0xffff  }
0xb0: {  	v17 =	vld.idx.msk [tilespmem:v7+s29+$0x10 ss:$0x1], $0xffff  }
0xb1: {  	v18 =	vld.idx.msk [tilespmem:v7+s29+$0x20 ss:$0x1], $0xffff  }
0xb2: {  	v19 =	vld.idx.msk [tilespmem:v7+s29+$0x30 ss:$0x1], $0xffff  }
0xb3: {  	v20 =	vld.idx.msk [tilespmem:v7+s29+$0x40 ss:$0x1], $0xffff;
	s30 =	sshll.u32 s26, $0x7  }
0xb4: {  	v21 =	vld.idx.msk [tilespmem:v7+s29+$0x50 ss:$0x1], $0xffff;
	v6 =	vmax.f32 v6, v13;
	s31 =	sand.u32 $0x3FFFFF80, s30;
	v62 =	vmax.f32 v14, v16  }
0xb5: {  	v61 =	vld.idx.msk [tilespmem:v7+s29+$0x60 ss:$0x1], $0xffff;
	v5 =	vmax.f32 v5, v12;
	v6 =	vmax.f32 v6, v17;
	[tilespmem:s31+$0x1E480] =	vst v62  }
0xb6: {  	s26 =	sadd.s32 $0x1, s26;
	v4 =	vmax.f32 v4, v11;
	v5 =	vmax.f32 v5, v18;
	[tilespmem:s31+$0x1E490] =	vst v6  }
0xb7: {  	p0 =	sne.s32 s26, $0x4;
	v2 =	vmax.f32 v2, v9;
	v4 =	vmax.f32 v4, v19;
	[tilespmem:s31+$0x1E4A0] =	vst v5  }
.Ltmp7:
0xb8: {  	v1 =	vmax.f32 v1, v8;
	v2 =	vmax.f32 v2, v20;
	[tilespmem:s31+$0x1E4B0] =	vst v4;
	(pc) =	sbr.rel @p0 .LBB2_11-.Ltmp7, $4  }
0xb9: {  	v0 =	vmax.f32 v0, v10;
	v1 =	vmax.f32 v1, v21;
	[tilespmem:s31+$0x1E4C0] =	vst v2  }
0xba: {  	v0 =	vmax.f32 v0, v61;
	[tilespmem:s31+$0x1E4D0] =	vst v1  }
0xbb: {  	v63 =	vmax.f32 v3, v15;
	[tilespmem:s31+$0x1E4E0] =	vst v0  }
0xbc: {  	s28 =	sadd.s32 $0x1000, s28;
	[tilespmem:s31+$0x1E4F0] =	vst v63  }
0xbd: {  	p0 =	seq.s32 s23, $0x13  }
0xbe: {  	s26 =	sadd.s32 @!p0 $0x13A80, s25;
	s28 =	simm.s32 @!p0 $0x80;
	s29 =	simm.s32 @!p0 $0x16080  }
0xbf: {  	[tilespmem:s29], [sflag:$0x1] =	stream.indirect.gather @!p0 [spmem:s2], $0x80, s26, s28, $0xb8;
	[tilespmem:$0x1E880] =	vst v63  }
0xc0: {  	_ =	swait.ge [sflag:s17], $0x4000  }
0xc1: {  	[sflag:s17] =	ssyncset.done $0x0  }
0xc2: {  	s26 =	simm.s32 $0x0;
	s28 =	simm.s32 $0x1A100;
	[sflag:s17] =	ssyncadd.s32 $0xFFFFC000  }
.LBB2_15:
0xc3: {  	s29 =	sshll.u32 s26, $0xE  }
0xc4: {  	s29 =	sshra.s32 s29, $0x2  }
0xc5: {  	v10 =	vld [tilespmem:s29+$0x1A080]  }
0xc6: {  	v6 =	vld [tilespmem:s29+$0x1A090]  }
0xc7: {  	v5 =	vld [tilespmem:s29+$0x1A0A0]  }
0xc8: {  	v7 =	vmov s28;
	v4 =	vld [tilespmem:s29+$0x1A0B0]  }
0xc9: {  	v2 =	vld [tilespmem:s29+$0x1A0C0]  }
0xca: {  	v1 =	vld [tilespmem:s29+$0x1A0D0]  }
0xcb: {  	v0 =	vld [tilespmem:s29+$0x1A0E0]  }
0xcc: {  	s31 =	simm.s32 $0x0;
	v3 =	vld [tilespmem:s29+$0x1A0F0]  }
0xcd: {  	v14 =	vld.idx.msk [tilespmem:v7+s31+$0x70 ss:$0x1], $0xffff  }
0xce: {  	v15 =	vld.idx.msk [tilespmem:v7+s31+$0x0 ss:$0x1], $0xffff  }
0xcf: {  	v13 =	vld.idx.msk [tilespmem:v7+s31+$0x10 ss:$0x1], $0xffff  }
0xd0: {  	v12 =	vld.idx.msk [tilespmem:v7+s31+$0x20 ss:$0x1], $0xffff  }
0xd1: {  	v11 =	vld.idx.msk [tilespmem:v7+s31+$0x30 ss:$0x1], $0xffff  }
0xd2: {  	v9 =	vld.idx.msk [tilespmem:v7+s31+$0x40 ss:$0x1], $0xffff  }
0xd3: {  	v8 =	vld.idx.msk [tilespmem:v7+s31+$0x50 ss:$0x1], $0xffff  }
0xd4: {  	s30 =	simm.s32 $0x400;
	s29 =	simm.s32 $0x80;
	v3 =	vmax.f32 v3, v14;
	v14 =	vmax.f32 v10, v15;
	v10 =	vld.idx.msk [tilespmem:v7+s31+$0x60 ss:$0x1], $0xffff  }
.LBB2_16:
0xd5: {  	p1 =	sne.s32 s30, $0x3C00;
	v15 =	vld.idx.msk [tilespmem:v7+s29+$0x70 ss:$0x1], $0xffff;
	v6 =	vmax.f32 v6, v13  }
0xd6: {  	v5 =	vmax.f32 v5, v12;
	v16 =	vld.idx.msk [tilespmem:v7+s29+$0x0 ss:$0x1], $0xffff  }
0xd7: {  	v4 =	vmax.f32 v4, v11;
	v13 =	vld.idx.msk [tilespmem:v7+s29+$0x10 ss:$0x1], $0xffff  }
.Ltmp8:
0xd8: {  	v2 =	vmax.f32 v2, v9;
	v12 =	vld.idx.msk [tilespmem:v7+s29+$0x20 ss:$0x1], $0xffff;
	(pc) =	sbr.rel @p1 .LBB2_16-.Ltmp8, $4  }
0xd9: {  	v1 =	vmax.f32 v1, v8;
	v11 =	vld.idx.msk [tilespmem:v7+s29+$0x30 ss:$0x1], $0xffff  }
0xda: {  	v0 =	vmax.f32 v0, v10;
	v9 =	vld.idx.msk [tilespmem:v7+s29+$0x40 ss:$0x1], $0xffff  }
0xdb: {  	v3 =	vmax.f32 v3, v15;
	v8 =	vld.idx.msk [tilespmem:v7+s29+$0x50 ss:$0x1], $0xffff  }
0xdc: {  	v14 =	vmax.f32 v14, v16;
	v10 =	vld.idx.msk [tilespmem:v7+s29+$0x60 ss:$0x1], $0xffff;
	s29 =	sshra.s32 s30, $0x2;
	s30 =	sadd.s32 $0x200, s30  }
0xdd: {  	_ =	sdelay $0x3  }
0xde: {  	v15 =	vld.idx.msk [tilespmem:v7+s29+$0x70 ss:$0x1], $0xffff  }
0xdf: {  	v16 =	vld.idx.msk [tilespmem:v7+s29+$0x0 ss:$0x1], $0xffff  }
0xe0: {  	v17 =	vld.idx.msk [tilespmem:v7+s29+$0x10 ss:$0x1], $0xffff  }
0xe1: {  	v18 =	vld.idx.msk [tilespmem:v7+s29+$0x20 ss:$0x1], $0xffff  }
0xe2: {  	v19 =	vld.idx.msk [tilespmem:v7+s29+$0x30 ss:$0x1], $0xffff  }
0xe3: {  	v20 =	vld.idx.msk [tilespmem:v7+s29+$0x40 ss:$0x1], $0xffff;
	s30 =	sshll.u32 s26, $0x7  }
0xe4: {  	v21 =	vld.idx.msk [tilespmem:v7+s29+$0x50 ss:$0x1], $0xffff;
	v6 =	vmax.f32 v6, v13;
	s31 =	sand.u32 $0x3FFFFF80, s30;
	v62 =	vmax.f32 v14, v16  }
0xe5: {  	v61 =	vld.idx.msk [tilespmem:v7+s29+$0x60 ss:$0x1], $0xffff;
	v5 =	vmax.f32 v5, v12;
	v6 =	vmax.f32 v6, v17;
	[tilespmem:s31+$0x1E680] =	vst v62  }
0xe6: {  	s26 =	sadd.s32 $0x1, s26;
	v4 =	vmax.f32 v4, v11;
	v5 =	vmax.f32 v5, v18;
	[tilespmem:s31+$0x1E690] =	vst v6  }
0xe7: {  	p1 =	sne.s32 s26, $0x4;
	v2 =	vmax.f32 v2, v9;
	v4 =	vmax.f32 v4, v19;
	[tilespmem:s31+$0x1E6A0] =	vst v5  }
.Ltmp9:
0xe8: {  	v1 =	vmax.f32 v1, v8;
	v2 =	vmax.f32 v2, v20;
	[tilespmem:s31+$0x1E6B0] =	vst v4;
	(pc) =	sbr.rel @p1 .LBB2_15-.Ltmp9, $4  }
0xe9: {  	v0 =	vmax.f32 v0, v10;
	v1 =	vmax.f32 v1, v21;
	[tilespmem:s31+$0x1E6C0] =	vst v2  }
0xea: {  	v0 =	vmax.f32 v0, v61;
	[tilespmem:s31+$0x1E6D0] =	vst v1  }
0xeb: {  	v63 =	vmax.f32 v3, v15;
	[tilespmem:s31+$0x1E6E0] =	vst v0  }
0xec: {  	s28 =	sadd.s32 $0x1000, s28;
	[tilespmem:s31+$0x1E6F0] =	vst v63  }
.Ltmp10:
0xed: {  	(pc) =	sbr.rel @p0 .LBB2_20-.Ltmp10, $4  }
0xee: {  	_ = 	snop  }
0xef: {  	s24 =	sshll.u32 s24, $0x6  }
0xf0: {  	s24 =	sadd.s32 s24, s7  }
0xf1: {  	[hbm4b:s24+s3] =	stream.linear.scatter [tilespmem:s19], [sflag:$0x4], $0x400, $0x38;
	[tilespmem:$0x1E880] =	vst v63  }
.Ltmp11:
0xf2: {  	(pc) =	sbr.rel .LBB2_2-.Ltmp11, $3  }
0xf3: {  	_ =	sdelay $0x1  }
0xf4: {  	s24 =	sadd.s32 $0x13B00, s25;
	s23 =	sadd.s32 $0x1, s23  }
0xf5: {  	[tilespmem:s15], [sflag:$0x2] =	stream.indirect.gather [spmem:s2], $0x80, s24, s12, $0xb8;
	[tilespmem:$0x1E880] =	vst v63  }
.LBB2_21:
0xf6: {  	_ =	sfence.sel $0x180000  }
0xf7: {  	[bflag:$0x0] =	sbarrier.arrive $0xFFFF  }
0xf8: {  	p0 =	sne.s32 s0, $0x0;
	_ =	strace $0x90000047  }
0xf9: {  	s0 =	sadd.s32 @!p0 $0x100000, s1;
	[bflag:$0x2] =	sbarrier.arrive $0xFFFF  }
0xfa: {  	[sflag:s0] =	ssyncadd.tile.s32 @!p0 $0x1;
	_ =	shalt  }
.Lfunc_end2:
_tile_overlayer_lowered:
.L_overlay_start_2:
0xfb: {  	(tag) =	ssettag $0x2  }
0xfc: {  	s0 =	rddreg [dreg:$0x0];
	s2 =	stileid.u32  }
0xfd: {  	s1 =	rddreg [dreg:$0x1];
	p0 =	sne.s32 s2, $0x0  }
0xfe: {  	s3 =	rddreg [dreg:$0x2];
	[bflag:$0x3] =	sbarrier.arrive $0xFFFF;
	s2 =	simm.s32 @!p0 $0x1C05  }
0xff: {  	[timem:s3], [sflag:s2] =	dma.local @!p0 [hbm:s0], s1  }
0x100: {  	s0 =	simm.s32 @!p0 $0x5  }
0x101: {  	_ =	swait.ge @!p0 [sflag:s0], s1  }
0x102: {  	s1 =	ssub.s32 @!p0 $0x0, s1;
	[sflag:s0] =	ssyncset.done @!p0 $0x0  }
0x103: {  	[sflag:s0] =	ssyncadd.s32 @!p0 s1  }
0x104: {  	[bflag:$0x3] =	sbarrier.arrive $0xFFFF  }
0x105: {  	_ =	shalt  }

</sc_bundles>
